<compile_context>
chip_gen: v7x
topology: tpu7x:2x2x1
jax: 0.10.2.dev20260603
libtpu: 0.0.44.dev20260713+nightly
codegen_flags: <defaults>
</compile_context>

<pallas_src>
import functools

import jax
import jax.numpy as jnp
from jax import lax
from jax.experimental import pallas as pl
from jax.experimental.pallas import tpu as pltpu
from jax.experimental.pallas import tpu_sc as plsc

_B = 16384
_D = 64
_K = 5
_NC = 2
_NS = 16
_NW = _NC * _NS
_BPW = _B // _NW
_CHUNK = 64
_NCHUNK = _BPW // _CHUNK
_LANES = 16
_LP = _D // _LANES
_PD = 128


def _sc_partials(targets, contexts, neg_t, w_hidden_p, w_output_p):
    mesh = plsc.VectorSubcoreMesh(
        core_axis_name="c", subcore_axis_name="s",
        num_cores=_NC, num_subcores=_NS)

    @functools.partial(
        pl.kernel,
        out_type=(
            jax.ShapeDtypeStruct((_B, _LANES), jnp.float32),
            jax.ShapeDtypeStruct((_B, _LANES), jnp.float32),
        ),
        mesh=mesh,
        scratch_types=[
            pltpu.VMEM((_CHUNK,), jnp.int32),
            pltpu.VMEM((_CHUNK,), jnp.int32),
            pltpu.VMEM((_K, _CHUNK), jnp.int32),
            pltpu.VMEM((_CHUNK, _PD), jnp.float32),
            pltpu.VMEM((_CHUNK, _PD), jnp.float32),
            pltpu.VMEM((_K, _CHUNK, _PD), jnp.float32),
            pltpu.VMEM((_CHUNK, _LANES), jnp.float32),
            pltpu.VMEM((_CHUNK, _LANES), jnp.float32),
            pltpu.SemaphoreType.DMA,
        ],
    )
    def sc_kernel(tgt_hbm, ctx_hbm, negt_hbm, wh_hbm, wo_hbm, pos_out, neg_out,
                  tgt_v, ctx_v, negi_v, h_v, o_v, n_v, pp_v, np_v, sem):
        wid = lax.axis_index("s") * _NC + lax.axis_index("c")

        def chunk_body(c, carry):
            base = wid * _BPW + c * _CHUNK
            pltpu.sync_copy(tgt_hbm.at[pl.ds(base, _CHUNK)], tgt_v)
            pltpu.sync_copy(ctx_hbm.at[pl.ds(base, _CHUNK)], ctx_v)
            for kk in range(_K):
                pltpu.sync_copy(negt_hbm.at[kk, pl.ds(base, _CHUNK)], negi_v.at[kk])
            copies = [
                pltpu.make_async_copy(wh_hbm.at[tgt_v], h_v, sem),
                pltpu.make_async_copy(wo_hbm.at[ctx_v], o_v, sem),
            ]
            for kk in range(_K):
                copies.append(
                    pltpu.make_async_copy(wo_hbm.at[negi_v.at[kk]], n_v.at[kk], sem))
            for cp in copies:
                cp.start()
            for cp in copies:
                cp.wait()

            def b_body(b, carry2):
                pp = jnp.zeros((_LANES,), jnp.float32)
                npart = jnp.zeros((_LANES,), jnp.float32)
                for j in range(_LP):
                    sl = pl.ds(j * _LANES, _LANES)
                    h = h_v[b, sl]
                    pp = pp + h * o_v[b, sl]
                    ns = n_v[0, b, sl]
                    for kk in range(1, _K):
                        ns = ns + n_v[kk, b, sl]
                    npart = npart + h * ns
                pp_v[b, :] = pp
                np_v[b, :] = npart
                return carry2

            lax.fori_loop(0, _CHUNK, b_body, 0)
            pltpu.sync_copy(pp_v, pos_out.at[pl.ds(base, _CHUNK)])
            pltpu.sync_copy(np_v, neg_out.at[pl.ds(base, _CHUNK)])
            return carry

        lax.fori_loop(0, _NCHUNK, chunk_body, 0)

    return sc_kernel(targets, contexts, neg_t, w_hidden_p, w_output_p)


def _log_sigmoid(x):
    return jnp.minimum(x, 0.0) - jnp.log1p(jnp.exp(-jnp.abs(x)))


def _tc_loss(pos_part, neg_part, *, interpret=False):
    def body(p_ref, n_ref, o_ref):
        score = jnp.sum(p_ref[...], axis=1, keepdims=True)
        negsum = jnp.sum(n_ref[...], axis=1, keepdims=True)
        total = jnp.sum(_log_sigmoid(score)) + jnp.sum(_log_sigmoid(-negsum))
        o_ref[0, 0] = -total * (1.0 / _B)

    return pl.pallas_call(
        body,
        out_shape=jax.ShapeDtypeStruct((1, 1), jnp.float32),
        out_specs=pl.BlockSpec(memory_space=pltpu.SMEM),
        interpret=interpret,
    )(pos_part, neg_part)


def kernel(targets, contexts, neg_samples, W_hidden, W_output):
    tgt = targets.astype(jnp.int32)
    ctx = contexts.astype(jnp.int32)
    neg_t = neg_samples.astype(jnp.int32).T
    wh_p = jnp.pad(W_hidden, ((0, 0), (0, _PD - _D)))
    wo_p = jnp.pad(W_output, ((0, 0), (0, _PD - _D)))
    pos_part, neg_part = _sc_partials(tgt, ctx, neg_t, wh_p, wo_p)
    return _tc_loss(pos_part, neg_part)[0, 0]

# --- scband reference (transcript-rebuilt; emitter-appended) ---
"""Pipeline reference for scband-skip-gram-model-1348619731120 (READ-ONLY COPY).

The authoritative reference and input builder live on the scoring server;
editing this copy changes nothing except your own understanding.
"""

import jax, jax.numpy as jnp
import numpy as np

VOCAB = 1000000
EMBED_DIM = 64
BATCH = 16384
NEG_K = 5


def setup_inputs(seed: int = 0) -> dict:
    key = jax.random.key(seed)
    k1, k2, k3, k4 = jax.random.split(key, 4)
    targets = jax.random.randint(k1, (BATCH,), 0, VOCAB, dtype=jnp.int64 if jax.config.jax_enable_x64 else jnp.int32)
    contexts = jax.random.randint(k2, (BATCH,), 0, VOCAB, dtype=jnp.int64 if jax.config.jax_enable_x64 else jnp.int32)
    neg_samples = jax.random.randint(k3, (BATCH, NEG_K), 0, VOCAB, dtype=jnp.int64 if jax.config.jax_enable_x64 else jnp.int32)
    init_range = 0.5 / EMBED_DIM
    W_hidden = jax.random.uniform(k4, (VOCAB, EMBED_DIM), dtype=jnp.float32, minval=-init_range, maxval=init_range)
    # module inits output embedding to zeros (uniform_(-0, 0))
    W_output = jnp.zeros((VOCAB, EMBED_DIM), dtype=jnp.float32)
    return {"targets": targets, "contexts": contexts, "neg_samples": neg_samples, "W_hidden": W_hidden, "W_output": W_output}


def reference(targets, contexts, neg_samples, W_hidden, W_output):
    # emb_h = embed_hidden(targets); emb_o = embed_output(contexts)
    emb_h = jnp.take(W_hidden, targets, axis=0)          # [B, D]
    emb_o = jnp.take(W_output, contexts, axis=0)         # [B, D]
    score = jnp.sum(emb_h * emb_o, axis=1)               # [B]
    score = jax.nn.log_sigmoid(score)
    pos_loss = jnp.sum(score)
    # negative samples: bmm(neg_emb_o [B,K,D], emb_h [B,D,1]) -> [B,K]
    neg_emb_o = jnp.take(W_output, neg_samples, axis=0)  # [B, K, D]
    neg_score = jnp.einsum('bkd,bd->bk', neg_emb_o, emb_h)
    neg_score = jnp.sum(neg_score, axis=1)               # [B]
    neg_score = jax.nn.log_sigmoid(-1.0 * neg_score)
    neg_loss = jnp.sum(neg_score)
    n = targets.shape[0]
    return -1.0 * (pos_loss + neg_loss) / n

if __name__ == "__main__":
    import jax
    _d = setup_inputs()
    print(jax.jit(kernel)(*tuple(_d.values())))

</pallas_src>

<mosaic_0001>
#map = affine_map<(d0, d1) -> (0)>
#map1 = affine_map<(d0, d1) -> (0, 0)>
module attributes {stable_mosaic.version = 14 : i64} {
  func.func @sc_kernel(%arg0: i32, %arg1: i32, %arg2: memref<16384xi32, #tpu.memory_space<hbm>>, %arg3: memref<16384xi32, #tpu.memory_space<hbm>>, %arg4: memref<5x16384xi32, #tpu.memory_space<hbm>>, %arg5: memref<1000000x128xf32, #tpu.memory_space<hbm>>, %arg6: memref<1000000x128xf32, #tpu.memory_space<hbm>>, %arg7: memref<16384x16xf32, #tpu.memory_space<hbm>>, %arg8: memref<16384x16xf32, #tpu.memory_space<hbm>>, %arg9: memref<64xi32, #tpu.memory_space<vmem>>, %arg10: memref<64xi32, #tpu.memory_space<vmem>>, %arg11: memref<5x64xi32, #tpu.memory_space<vmem>>, %arg12: memref<64x128xf32, #tpu.memory_space<vmem>>, %arg13: memref<64x128xf32, #tpu.memory_space<vmem>>, %arg14: memref<5x64x128xf32, #tpu.memory_space<vmem>>, %arg15: memref<64x16xf32, #tpu.memory_space<vmem>>, %arg16: memref<64x16xf32, #tpu.memory_space<vmem>>, %arg17: memref<!tpu.dma_semaphore, #tpu.memory_space<semaphore_mem>>) attributes {dimension_semantics = [#tpu.dimension_semantics<core_parallel>, #tpu.dimension_semantics<subcore_parallel>], iteration_bounds = array<i64: 2, 16>, scalar_prefetch = 0 : i64, scratch_operands = 9 : i64, tpu.core_type = #tpu.core_type<sc_vector_subcore>, window_params = [{transform_indices = #map}, {transform_indices = #map}, {transform_indices = #map1}, {transform_indices = #map1}, {transform_indices = #map1}, {transform_indices = #map1}, {transform_indices = #map1}]} {
    %mul3A = arith.constant 2 : i32
    %mul3A_0 = arith.muli %arg1, %mul3A : i32
    %add3A = arith.addi %mul3A_0, %arg0 : i32
    %scan3A = arith.constant 0 : i32
    %scan3A_1 = arith.constant 0 : i32
    %scan3A_2 = arith.constant 8 : i32
    %scan3A_3 = arith.addi %scan3A_1, %scan3A_2 : i32
    %scan3A_4 = arith.constant 1 : i32
    scf.for %scan3A_6 = %scan3A_1 to %scan3A_3 step %scan3A_4  : i32 {
      %mul3A_7 = arith.constant 512 : i32
      %mul3A_8 = arith.muli %add3A, %mul3A_7 : i32
      %mul3A_9 = arith.constant 64 : i32
      %mul3A_10 = arith.muli %scan3A_6, %mul3A_9 : i32
      %add3A_11 = arith.addi %mul3A_8, %mul3A_10 : i32
      "tpu.region"() ({
        %run_scoped3A_157 = tpu.sem_alloc : memref<!tpu.dma_semaphore, #tpu.memory_space<semaphore_mem>>
        %dma_start3A_158 = tpu.memref_slice %arg2[%add3A_11] : memref<16384xi32, #tpu.memory_space<hbm>> -> memref<64xi32, #tpu.memory_space<hbm>>
        %dma_start3A_159 = tpu.memref_slice %arg2[%add3A_11] : memref<16384xi32, #tpu.memory_space<hbm>> -> memref<64xi32, #tpu.memory_space<hbm>>
        tpu.enqueue_dma source(%dma_start3A_159 : memref<64xi32, #tpu.memory_space<hbm>>) target(%arg9 : memref<64xi32, #tpu.memory_space<vmem>>) target_semaphore(%run_scoped3A_157 : memref<!tpu.dma_semaphore, #tpu.memory_space<semaphore_mem>>)
        %dma_wait3A_160 = tpu.memref_slice %arg2[%add3A_11] : memref<16384xi32, #tpu.memory_space<hbm>> -> memref<64xi32, #tpu.memory_space<hbm>>
        %dma_wait3A_161 = tpu.memref_slice %arg2[%add3A_11] : memref<16384xi32, #tpu.memory_space<hbm>> -> memref<64xi32, #tpu.memory_space<hbm>>
        tpu.wait_dma2 semaphore(%run_scoped3A_157 : memref<!tpu.dma_semaphore, #tpu.memory_space<semaphore_mem>>) src(%dma_wait3A_161 : memref<64xi32, #tpu.memory_space<hbm>>) dst(%arg9 : memref<64xi32, #tpu.memory_space<vmem>>)
        tpu.yield
      }) : () -> ()
      "tpu.region"() ({
        %run_scoped3A_157 = tpu.sem_alloc : memref<!tpu.dma_semaphore, #tpu.memory_space<semaphore_mem>>
        %dma_start3A_158 = tpu.memref_slice %arg3[%add3A_11] : memref<16384xi32, #tpu.memory_space<hbm>> -> memref<64xi32, #tpu.memory_space<hbm>>
        %dma_start3A_159 = tpu.memref_slice %arg3[%add3A_11] : memref<16384xi32, #tpu.memory_space<hbm>> -> memref<64xi32, #tpu.memory_space<hbm>>
        tpu.enqueue_dma source(%dma_start3A_159 : memref<64xi32, #tpu.memory_space<hbm>>) target(%arg10 : memref<64xi32, #tpu.memory_space<vmem>>) target_semaphore(%run_scoped3A_157 : memref<!tpu.dma_semaphore, #tpu.memory_space<semaphore_mem>>)
        %dma_wait3A_160 = tpu.memref_slice %arg3[%add3A_11] : memref<16384xi32, #tpu.memory_space<hbm>> -> memref<64xi32, #tpu.memory_space<hbm>>
        %dma_wait3A_161 = tpu.memref_slice %arg3[%add3A_11] : memref<16384xi32, #tpu.memory_space<hbm>> -> memref<64xi32, #tpu.memory_space<hbm>>
        tpu.wait_dma2 semaphore(%run_scoped3A_157 : memref<!tpu.dma_semaphore, #tpu.memory_space<semaphore_mem>>) src(%dma_wait3A_161 : memref<64xi32, #tpu.memory_space<hbm>>) dst(%arg10 : memref<64xi32, #tpu.memory_space<vmem>>)
        tpu.yield
      }) : () -> ()
      %run_scoped3A = arith.constant 0 : i32
      %run_scoped3A_12 = arith.constant 0 : i32
      "tpu.region"() ({
        %run_scoped3A_157 = tpu.sem_alloc : memref<!tpu.dma_semaphore, #tpu.memory_space<semaphore_mem>>
        %dma_start3A_158 = arith.constant 0 : i32
        %dma_start3A_159 = tpu.memref_slice %arg11[%run_scoped3A_12, %dma_start3A_158] : memref<5x64xi32, #tpu.memory_space<vmem>> -> memref<1x64xi32, #tpu.memory_space<vmem>>
        %dma_start3A_160 = tpu.memref_squeeze %dma_start3A_159 : memref<1x64xi32, #tpu.memory_space<vmem>> -> memref<64xi32, #tpu.memory_space<vmem>>
        %dma_start3A_161 = tpu.memref_slice %arg4[%run_scoped3A, %add3A_11] : memref<5x16384xi32, #tpu.memory_space<hbm>> -> memref<1x64xi32, #tpu.memory_space<hbm>>
        %dma_start3A_162 = tpu.memref_squeeze %dma_start3A_161 : memref<1x64xi32, #tpu.memory_space<hbm>> -> memref<64xi32, #tpu.memory_space<hbm>>
        %dma_start3A_163 = arith.constant 0 : i32
        %dma_start3A_164 = tpu.memref_slice %arg11[%run_scoped3A_12, %dma_start3A_163] : memref<5x64xi32, #tpu.memory_space<vmem>> -> memref<1x64xi32, #tpu.memory_space<vmem>>
        %dma_start3A_165 = tpu.memref_squeeze %dma_start3A_164 : memref<1x64xi32, #tpu.memory_space<vmem>> -> memref<64xi32, #tpu.memory_space<vmem>>
        %dma_start3A_166 = tpu.memref_slice %arg4[%run_scoped3A, %add3A_11] : memref<5x16384xi32, #tpu.memory_space<hbm>> -> memref<1x64xi32, #tpu.memory_space<hbm>>
        %dma_start3A_167 = tpu.memref_squeeze %dma_start3A_166 : memref<1x64xi32, #tpu.memory_space<hbm>> -> memref<64xi32, #tpu.memory_space<hbm>>
        tpu.enqueue_dma source(%dma_start3A_167 : memref<64xi32, #tpu.memory_space<hbm>>) target(%dma_start3A_165 : memref<64xi32, #tpu.memory_space<vmem>>) target_semaphore(%run_scoped3A_157 : memref<!tpu.dma_semaphore, #tpu.memory_space<semaphore_mem>>)
        %dma_wait3A_168 = arith.constant 0 : i32
        %dma_wait3A_169 = tpu.memref_slice %arg11[%run_scoped3A_12, %dma_wait3A_168] : memref<5x64xi32, #tpu.memory_space<vmem>> -> memref<1x64xi32, #tpu.memory_space<vmem>>
        %dma_wait3A_170 = tpu.memref_squeeze %dma_wait3A_169 : memref<1x64xi32, #tpu.memory_space<vmem>> -> memref<64xi32, #tpu.memory_space<vmem>>
        %dma_wait3A_171 = tpu.memref_slice %arg4[%run_scoped3A, %add3A_11] : memref<5x16384xi32, #tpu.memory_space<hbm>> -> memref<1x64xi32, #tpu.memory_space<hbm>>
        %dma_wait3A_172 = tpu.memref_squeeze %dma_wait3A_171 : memref<1x64xi32, #tpu.memory_space<hbm>> -> memref<64xi32, #tpu.memory_space<hbm>>
        %dma_wait3A_173 = arith.constant 0 : i32
        %dma_wait3A_174 = tpu.memref_slice %arg11[%run_scoped3A_12, %dma_wait3A_173] : memref<5x64xi32, #tpu.memory_space<vmem>> -> memref<1x64xi32, #tpu.memory_space<vmem>>
        %dma_wait3A_175 = tpu.memref_squeeze %dma_wait3A_174 : memref<1x64xi32, #tpu.memory_space<vmem>> -> memref<64xi32, #tpu.memory_space<vmem>>
        %dma_wait3A_176 = tpu.memref_slice %arg4[%run_scoped3A, %add3A_11] : memref<5x16384xi32, #tpu.memory_space<hbm>> -> memref<1x64xi32, #tpu.memory_space<hbm>>
        %dma_wait3A_177 = tpu.memref_squeeze %dma_wait3A_176 : memref<1x64xi32, #tpu.memory_space<hbm>> -> memref<64xi32, #tpu.memory_space<hbm>>
        tpu.wait_dma2 semaphore(%run_scoped3A_157 : memref<!tpu.dma_semaphore, #tpu.memory_space<semaphore_mem>>) src(%dma_wait3A_177 : memref<64xi32, #tpu.memory_space<hbm>>) dst(%dma_wait3A_175 : memref<64xi32, #tpu.memory_space<vmem>>)
        tpu.yield
      }) : () -> ()
      %run_scoped3A_13 = arith.constant 1 : i32
      %run_scoped3A_14 = arith.constant 1 : i32
      "tpu.region"() ({
        %run_scoped3A_157 = tpu.sem_alloc : memref<!tpu.dma_semaphore, #tpu.memory_space<semaphore_mem>>
        %dma_start3A_158 = arith.constant 0 : i32
        %dma_start3A_159 = tpu.memref_slice %arg11[%run_scoped3A_14, %dma_start3A_158] : memref<5x64xi32, #tpu.memory_space<vmem>> -> memref<1x64xi32, #tpu.memory_space<vmem>>
        %dma_start3A_160 = tpu.memref_squeeze %dma_start3A_159 : memref<1x64xi32, #tpu.memory_space<vmem>> -> memref<64xi32, #tpu.memory_space<vmem>>
        %dma_start3A_161 = tpu.memref_slice %arg4[%run_scoped3A_13, %add3A_11] : memref<5x16384xi32, #tpu.memory_space<hbm>> -> memref<1x64xi32, #tpu.memory_space<hbm>>
        %dma_start3A_162 = tpu.memref_squeeze %dma_start3A_161 : memref<1x64xi32, #tpu.memory_space<hbm>> -> memref<64xi32, #tpu.memory_space<hbm>>
        %dma_start3A_163 = arith.constant 0 : i32
        %dma_start3A_164 = tpu.memref_slice %arg11[%run_scoped3A_14, %dma_start3A_163] : memref<5x64xi32, #tpu.memory_space<vmem>> -> memref<1x64xi32, #tpu.memory_space<vmem>>
        %dma_start3A_165 = tpu.memref_squeeze %dma_start3A_164 : memref<1x64xi32, #tpu.memory_space<vmem>> -> memref<64xi32, #tpu.memory_space<vmem>>
        %dma_start3A_166 = tpu.memref_slice %arg4[%run_scoped3A_13, %add3A_11] : memref<5x16384xi32, #tpu.memory_space<hbm>> -> memref<1x64xi32, #tpu.memory_space<hbm>>
        %dma_start3A_167 = tpu.memref_squeeze %dma_start3A_166 : memref<1x64xi32, #tpu.memory_space<hbm>> -> memref<64xi32, #tpu.memory_space<hbm>>
        tpu.enqueue_dma source(%dma_start3A_167 : memref<64xi32, #tpu.memory_space<hbm>>) target(%dma_start3A_165 : memref<64xi32, #tpu.memory_space<vmem>>) target_semaphore(%run_scoped3A_157 : memref<!tpu.dma_semaphore, #tpu.memory_space<semaphore_mem>>)
        %dma_wait3A_168 = arith.constant 0 : i32
        %dma_wait3A_169 = tpu.memref_slice %arg11[%run_scoped3A_14, %dma_wait3A_168] : memref<5x64xi32, #tpu.memory_space<vmem>> -> memref<1x64xi32, #tpu.memory_space<vmem>>
        %dma_wait3A_170 = tpu.memref_squeeze %dma_wait3A_169 : memref<1x64xi32, #tpu.memory_space<vmem>> -> memref<64xi32, #tpu.memory_space<vmem>>
        %dma_wait3A_171 = tpu.memref_slice %arg4[%run_scoped3A_13, %add3A_11] : memref<5x16384xi32, #tpu.memory_space<hbm>> -> memref<1x64xi32, #tpu.memory_space<hbm>>
        %dma_wait3A_172 = tpu.memref_squeeze %dma_wait3A_171 : memref<1x64xi32, #tpu.memory_space<hbm>> -> memref<64xi32, #tpu.memory_space<hbm>>
        %dma_wait3A_173 = arith.constant 0 : i32
        %dma_wait3A_174 = tpu.memref_slice %arg11[%run_scoped3A_14, %dma_wait3A_173] : memref<5x64xi32, #tpu.memory_space<vmem>> -> memref<1x64xi32, #tpu.memory_space<vmem>>
        %dma_wait3A_175 = tpu.memref_squeeze %dma_wait3A_174 : memref<1x64xi32, #tpu.memory_space<vmem>> -> memref<64xi32, #tpu.memory_space<vmem>>
        %dma_wait3A_176 = tpu.memref_slice %arg4[%run_scoped3A_13, %add3A_11] : memref<5x16384xi32, #tpu.memory_space<hbm>> -> memref<1x64xi32, #tpu.memory_space<hbm>>
        %dma_wait3A_177 = tpu.memref_squeeze %dma_wait3A_176 : memref<1x64xi32, #tpu.memory_space<hbm>> -> memref<64xi32, #tpu.memory_space<hbm>>
        tpu.wait_dma2 semaphore(%run_scoped3A_157 : memref<!tpu.dma_semaphore, #tpu.memory_space<semaphore_mem>>) src(%dma_wait3A_177 : memref<64xi32, #tpu.memory_space<hbm>>) dst(%dma_wait3A_175 : memref<64xi32, #tpu.memory_space<vmem>>)
        tpu.yield
      }) : () -> ()
      %run_scoped3A_15 = arith.constant 2 : i32
      %run_scoped3A_16 = arith.constant 2 : i32
      "tpu.region"() ({
        %run_scoped3A_157 = tpu.sem_alloc : memref<!tpu.dma_semaphore, #tpu.memory_space<semaphore_mem>>
        %dma_start3A_158 = arith.constant 0 : i32
        %dma_start3A_159 = tpu.memref_slice %arg11[%run_scoped3A_16, %dma_start3A_158] : memref<5x64xi32, #tpu.memory_space<vmem>> -> memref<1x64xi32, #tpu.memory_space<vmem>>
        %dma_start3A_160 = tpu.memref_squeeze %dma_start3A_159 : memref<1x64xi32, #tpu.memory_space<vmem>> -> memref<64xi32, #tpu.memory_space<vmem>>
        %dma_start3A_161 = tpu.memref_slice %arg4[%run_scoped3A_15, %add3A_11] : memref<5x16384xi32, #tpu.memory_space<hbm>> -> memref<1x64xi32, #tpu.memory_space<hbm>>
        %dma_start3A_162 = tpu.memref_squeeze %dma_start3A_161 : memref<1x64xi32, #tpu.memory_space<hbm>> -> memref<64xi32, #tpu.memory_space<hbm>>
        %dma_start3A_163 = arith.constant 0 : i32
        %dma_start3A_164 = tpu.memref_slice %arg11[%run_scoped3A_16, %dma_start3A_163] : memref<5x64xi32, #tpu.memory_space<vmem>> -> memref<1x64xi32, #tpu.memory_space<vmem>>
        %dma_start3A_165 = tpu.memref_squeeze %dma_start3A_164 : memref<1x64xi32, #tpu.memory_space<vmem>> -> memref<64xi32, #tpu.memory_space<vmem>>
        %dma_start3A_166 = tpu.memref_slice %arg4[%run_scoped3A_15, %add3A_11] : memref<5x16384xi32, #tpu.memory_space<hbm>> -> memref<1x64xi32, #tpu.memory_space<hbm>>
        %dma_start3A_167 = tpu.memref_squeeze %dma_start3A_166 : memref<1x64xi32, #tpu.memory_space<hbm>> -> memref<64xi32, #tpu.memory_space<hbm>>
        tpu.enqueue_dma source(%dma_start3A_167 : memref<64xi32, #tpu.memory_space<hbm>>) target(%dma_start3A_165 : memref<64xi32, #tpu.memory_space<vmem>>) target_semaphore(%run_scoped3A_157 : memref<!tpu.dma_semaphore, #tpu.memory_space<semaphore_mem>>)
        %dma_wait3A_168 = arith.constant 0 : i32
        %dma_wait3A_169 = tpu.memref_slice %arg11[%run_scoped3A_16, %dma_wait3A_168] : memref<5x64xi32, #tpu.memory_space<vmem>> -> memref<1x64xi32, #tpu.memory_space<vmem>>
        %dma_wait3A_170 = tpu.memref_squeeze %dma_wait3A_169 : memref<1x64xi32, #tpu.memory_space<vmem>> -> memref<64xi32, #tpu.memory_space<vmem>>
        %dma_wait3A_171 = tpu.memref_slice %arg4[%run_scoped3A_15, %add3A_11] : memref<5x16384xi32, #tpu.memory_space<hbm>> -> memref<1x64xi32, #tpu.memory_space<hbm>>
        %dma_wait3A_172 = tpu.memref_squeeze %dma_wait3A_171 : memref<1x64xi32, #tpu.memory_space<hbm>> -> memref<64xi32, #tpu.memory_space<hbm>>
        %dma_wait3A_173 = arith.constant 0 : i32
        %dma_wait3A_174 = tpu.memref_slice %arg11[%run_scoped3A_16, %dma_wait3A_173] : memref<5x64xi32, #tpu.memory_space<vmem>> -> memref<1x64xi32, #tpu.memory_space<vmem>>
        %dma_wait3A_175 = tpu.memref_squeeze %dma_wait3A_174 : memref<1x64xi32, #tpu.memory_space<vmem>> -> memref<64xi32, #tpu.memory_space<vmem>>
        %dma_wait3A_176 = tpu.memref_slice %arg4[%run_scoped3A_15, %add3A_11] : memref<5x16384xi32, #tpu.memory_space<hbm>> -> memref<1x64xi32, #tpu.memory_space<hbm>>
        %dma_wait3A_177 = tpu.memref_squeeze %dma_wait3A_176 : memref<1x64xi32, #tpu.memory_space<hbm>> -> memref<64xi32, #tpu.memory_space<hbm>>
        tpu.wait_dma2 semaphore(%run_scoped3A_157 : memref<!tpu.dma_semaphore, #tpu.memory_space<semaphore_mem>>) src(%dma_wait3A_177 : memref<64xi32, #tpu.memory_space<hbm>>) dst(%dma_wait3A_175 : memref<64xi32, #tpu.memory_space<vmem>>)
        tpu.yield
      }) : () -> ()
      %run_scoped3A_17 = arith.constant 3 : i32
      %run_scoped3A_18 = arith.constant 3 : i32
      "tpu.region"() ({
        %run_scoped3A_157 = tpu.sem_alloc : memref<!tpu.dma_semaphore, #tpu.memory_space<semaphore_mem>>
        %dma_start3A_158 = arith.constant 0 : i32
        %dma_start3A_159 = tpu.memref_slice %arg11[%run_scoped3A_18, %dma_start3A_158] : memref<5x64xi32, #tpu.memory_space<vmem>> -> memref<1x64xi32, #tpu.memory_space<vmem>>
        %dma_start3A_160 = tpu.memref_squeeze %dma_start3A_159 : memref<1x64xi32, #tpu.memory_space<vmem>> -> memref<64xi32, #tpu.memory_space<vmem>>
        %dma_start3A_161 = tpu.memref_slice %arg4[%run_scoped3A_17, %add3A_11] : memref<5x16384xi32, #tpu.memory_space<hbm>> -> memref<1x64xi32, #tpu.memory_space<hbm>>
        %dma_start3A_162 = tpu.memref_squeeze %dma_start3A_161 : memref<1x64xi32, #tpu.memory_space<hbm>> -> memref<64xi32, #tpu.memory_space<hbm>>
        %dma_start3A_163 = arith.constant 0 : i32
        %dma_start3A_164 = tpu.memref_slice %arg11[%run_scoped3A_18, %dma_start3A_163] : memref<5x64xi32, #tpu.memory_space<vmem>> -> memref<1x64xi32, #tpu.memory_space<vmem>>
        %dma_start3A_165 = tpu.memref_squeeze %dma_start3A_164 : memref<1x64xi32, #tpu.memory_space<vmem>> -> memref<64xi32, #tpu.memory_space<vmem>>
        %dma_start3A_166 = tpu.memref_slice %arg4[%run_scoped3A_17, %add3A_11] : memref<5x16384xi32, #tpu.memory_space<hbm>> -> memref<1x64xi32, #tpu.memory_space<hbm>>
        %dma_start3A_167 = tpu.memref_squeeze %dma_start3A_166 : memref<1x64xi32, #tpu.memory_space<hbm>> -> memref<64xi32, #tpu.memory_space<hbm>>
        tpu.enqueue_dma source(%dma_start3A_167 : memref<64xi32, #tpu.memory_space<hbm>>) target(%dma_start3A_165 : memref<64xi32, #tpu.memory_space<vmem>>) target_semaphore(%run_scoped3A_157 : memref<!tpu.dma_semaphore, #tpu.memory_space<semaphore_mem>>)
        %dma_wait3A_168 = arith.constant 0 : i32
        %dma_wait3A_169 = tpu.memref_slice %arg11[%run_scoped3A_18, %dma_wait3A_168] : memref<5x64xi32, #tpu.memory_space<vmem>> -> memref<1x64xi32, #tpu.memory_space<vmem>>
        %dma_wait3A_170 = tpu.memref_squeeze %dma_wait3A_169 : memref<1x64xi32, #tpu.memory_space<vmem>> -> memref<64xi32, #tpu.memory_space<vmem>>
        %dma_wait3A_171 = tpu.memref_slice %arg4[%run_scoped3A_17, %add3A_11] : memref<5x16384xi32, #tpu.memory_space<hbm>> -> memref<1x64xi32, #tpu.memory_space<hbm>>
        %dma_wait3A_172 = tpu.memref_squeeze %dma_wait3A_171 : memref<1x64xi32, #tpu.memory_space<hbm>> -> memref<64xi32, #tpu.memory_space<hbm>>
        %dma_wait3A_173 = arith.constant 0 : i32
        %dma_wait3A_174 = tpu.memref_slice %arg11[%run_scoped3A_18, %dma_wait3A_173] : memref<5x64xi32, #tpu.memory_space<vmem>> -> memref<1x64xi32, #tpu.memory_space<vmem>>
        %dma_wait3A_175 = tpu.memref_squeeze %dma_wait3A_174 : memref<1x64xi32, #tpu.memory_space<vmem>> -> memref<64xi32, #tpu.memory_space<vmem>>
        %dma_wait3A_176 = tpu.memref_slice %arg4[%run_scoped3A_17, %add3A_11] : memref<5x16384xi32, #tpu.memory_space<hbm>> -> memref<1x64xi32, #tpu.memory_space<hbm>>
        %dma_wait3A_177 = tpu.memref_squeeze %dma_wait3A_176 : memref<1x64xi32, #tpu.memory_space<hbm>> -> memref<64xi32, #tpu.memory_space<hbm>>
        tpu.wait_dma2 semaphore(%run_scoped3A_157 : memref<!tpu.dma_semaphore, #tpu.memory_space<semaphore_mem>>) src(%dma_wait3A_177 : memref<64xi32, #tpu.memory_space<hbm>>) dst(%dma_wait3A_175 : memref<64xi32, #tpu.memory_space<vmem>>)
        tpu.yield
      }) : () -> ()
      %run_scoped3A_19 = arith.constant 4 : i32
      %run_scoped3A_20 = arith.constant 4 : i32
      "tpu.region"() ({
        %run_scoped3A_157 = tpu.sem_alloc : memref<!tpu.dma_semaphore, #tpu.memory_space<semaphore_mem>>
        %dma_start3A_158 = arith.constant 0 : i32
        %dma_start3A_159 = tpu.memref_slice %arg11[%run_scoped3A_20, %dma_start3A_158] : memref<5x64xi32, #tpu.memory_space<vmem>> -> memref<1x64xi32, #tpu.memory_space<vmem>>
        %dma_start3A_160 = tpu.memref_squeeze %dma_start3A_159 : memref<1x64xi32, #tpu.memory_space<vmem>> -> memref<64xi32, #tpu.memory_space<vmem>>
        %dma_start3A_161 = tpu.memref_slice %arg4[%run_scoped3A_19, %add3A_11] : memref<5x16384xi32, #tpu.memory_space<hbm>> -> memref<1x64xi32, #tpu.memory_space<hbm>>
        %dma_start3A_162 = tpu.memref_squeeze %dma_start3A_161 : memref<1x64xi32, #tpu.memory_space<hbm>> -> memref<64xi32, #tpu.memory_space<hbm>>
        %dma_start3A_163 = arith.constant 0 : i32
        %dma_start3A_164 = tpu.memref_slice %arg11[%run_scoped3A_20, %dma_start3A_163] : memref<5x64xi32, #tpu.memory_space<vmem>> -> memref<1x64xi32, #tpu.memory_space<vmem>>
        %dma_start3A_165 = tpu.memref_squeeze %dma_start3A_164 : memref<1x64xi32, #tpu.memory_space<vmem>> -> memref<64xi32, #tpu.memory_space<vmem>>
        %dma_start3A_166 = tpu.memref_slice %arg4[%run_scoped3A_19, %add3A_11] : memref<5x16384xi32, #tpu.memory_space<hbm>> -> memref<1x64xi32, #tpu.memory_space<hbm>>
        %dma_start3A_167 = tpu.memref_squeeze %dma_start3A_166 : memref<1x64xi32, #tpu.memory_space<hbm>> -> memref<64xi32, #tpu.memory_space<hbm>>
        tpu.enqueue_dma source(%dma_start3A_167 : memref<64xi32, #tpu.memory_space<hbm>>) target(%dma_start3A_165 : memref<64xi32, #tpu.memory_space<vmem>>) target_semaphore(%run_scoped3A_157 : memref<!tpu.dma_semaphore, #tpu.memory_space<semaphore_mem>>)
        %dma_wait3A_168 = arith.constant 0 : i32
        %dma_wait3A_169 = tpu.memref_slice %arg11[%run_scoped3A_20, %dma_wait3A_168] : memref<5x64xi32, #tpu.memory_space<vmem>> -> memref<1x64xi32, #tpu.memory_space<vmem>>
        %dma_wait3A_170 = tpu.memref_squeeze %dma_wait3A_169 : memref<1x64xi32, #tpu.memory_space<vmem>> -> memref<64xi32, #tpu.memory_space<vmem>>
        %dma_wait3A_171 = tpu.memref_slice %arg4[%run_scoped3A_19, %add3A_11] : memref<5x16384xi32, #tpu.memory_space<hbm>> -> memref<1x64xi32, #tpu.memory_space<hbm>>
        %dma_wait3A_172 = tpu.memref_squeeze %dma_wait3A_171 : memref<1x64xi32, #tpu.memory_space<hbm>> -> memref<64xi32, #tpu.memory_space<hbm>>
        %dma_wait3A_173 = arith.constant 0 : i32
        %dma_wait3A_174 = tpu.memref_slice %arg11[%run_scoped3A_20, %dma_wait3A_173] : memref<5x64xi32, #tpu.memory_space<vmem>> -> memref<1x64xi32, #tpu.memory_space<vmem>>
        %dma_wait3A_175 = tpu.memref_squeeze %dma_wait3A_174 : memref<1x64xi32, #tpu.memory_space<vmem>> -> memref<64xi32, #tpu.memory_space<vmem>>
        %dma_wait3A_176 = tpu.memref_slice %arg4[%run_scoped3A_19, %add3A_11] : memref<5x16384xi32, #tpu.memory_space<hbm>> -> memref<1x64xi32, #tpu.memory_space<hbm>>
        %dma_wait3A_177 = tpu.memref_squeeze %dma_wait3A_176 : memref<1x64xi32, #tpu.memory_space<hbm>> -> memref<64xi32, #tpu.memory_space<hbm>>
        tpu.wait_dma2 semaphore(%run_scoped3A_157 : memref<!tpu.dma_semaphore, #tpu.memory_space<semaphore_mem>>) src(%dma_wait3A_177 : memref<64xi32, #tpu.memory_space<hbm>>) dst(%dma_wait3A_175 : memref<64xi32, #tpu.memory_space<vmem>>)
        tpu.yield
      }) : () -> ()
      %dma_start3A = arith.constant 0 : i32
      %dma_start3A_21 = arith.constant 0 : i32
      %dma_start3A_22 = tpu.memref_slice %arg5[%dma_start3A, %dma_start3A_21] : memref<1000000x128xf32, #tpu.memory_space<hbm>> -> memref<1000000x128xf32, #tpu.memory_space<hbm>>
      tpu.enqueue_indirect_dma source(%dma_start3A_22 : memref<1000000x128xf32, #tpu.memory_space<hbm>>) target(%arg12 : memref<64x128xf32, #tpu.memory_space<vmem>>) offsets(%arg9 : memref<64xi32, #tpu.memory_space<vmem>>) semaphore(%arg17 : memref<!tpu.dma_semaphore, #tpu.memory_space<semaphore_mem>>)
      %dma_start3A_23 = arith.constant 0 : i32
      %dma_start3A_24 = arith.constant 0 : i32
      %dma_start3A_25 = tpu.memref_slice %arg6[%dma_start3A_23, %dma_start3A_24] : memref<1000000x128xf32, #tpu.memory_space<hbm>> -> memref<1000000x128xf32, #tpu.memory_space<hbm>>
      tpu.enqueue_indirect_dma source(%dma_start3A_25 : memref<1000000x128xf32, #tpu.memory_space<hbm>>) target(%arg13 : memref<64x128xf32, #tpu.memory_space<vmem>>) offsets(%arg10 : memref<64xi32, #tpu.memory_space<vmem>>) semaphore(%arg17 : memref<!tpu.dma_semaphore, #tpu.memory_space<semaphore_mem>>)
      %dma_start3A_26 = arith.constant 0 : i32
      %dma_start3A_27 = arith.constant 0 : i32
      %dma_start3A_28 = arith.constant 0 : i32
      %dma_start3A_29 = arith.constant 0 : i32
      %dma_start3A_30 = tpu.memref_slice %arg14[%dma_start3A_27, %dma_start3A_28, %dma_start3A_29] : memref<5x64x128xf32, #tpu.memory_space<vmem>> -> memref<1x64x128xf32, #tpu.memory_space<vmem>>
      %dma_start3A_31 = tpu.memref_squeeze %dma_start3A_30 : memref<1x64x128xf32, #tpu.memory_space<vmem>> -> memref<64x128xf32, #tpu.memory_space<vmem>>
      %dma_start3A_32 = arith.constant 0 : i32
      %dma_start3A_33 = tpu.memref_slice %arg11[%dma_start3A_26, %dma_start3A_32] : memref<5x64xi32, #tpu.memory_space<vmem>> -> memref<1x64xi32, #tpu.memory_space<vmem>>
      %dma_start3A_34 = tpu.memref_squeeze %dma_start3A_33 : memref<1x64xi32, #tpu.memory_space<vmem>> -> memref<64xi32, #tpu.memory_space<vmem>>
      %dma_start3A_35 = arith.constant 0 : i32
      %dma_start3A_36 = arith.constant 0 : i32
      %dma_start3A_37 = tpu.memref_slice %arg6[%dma_start3A_35, %dma_start3A_36] : memref<1000000x128xf32, #tpu.memory_space<hbm>> -> memref<1000000x128xf32, #tpu.memory_space<hbm>>
      tpu.enqueue_indirect_dma source(%dma_start3A_37 : memref<1000000x128xf32, #tpu.memory_space<hbm>>) target(%dma_start3A_31 : memref<64x128xf32, #tpu.memory_space<vmem>>) offsets(%dma_start3A_34 : memref<64xi32, #tpu.memory_space<vmem>>) semaphore(%arg17 : memref<!tpu.dma_semaphore, #tpu.memory_space<semaphore_mem>>)
      %dma_start3A_38 = arith.constant 1 : i32
      %dma_start3A_39 = arith.constant 1 : i32
      %dma_start3A_40 = arith.constant 0 : i32
      %dma_start3A_41 = arith.constant 0 : i32
      %dma_start3A_42 = tpu.memref_slice %arg14[%dma_start3A_39, %dma_start3A_40, %dma_start3A_41] : memref<5x64x128xf32, #tpu.memory_space<vmem>> -> memref<1x64x128xf32, #tpu.memory_space<vmem>>
      %dma_start3A_43 = tpu.memref_squeeze %dma_start3A_42 : memref<1x64x128xf32, #tpu.memory_space<vmem>> -> memref<64x128xf32, #tpu.memory_space<vmem>>
      %dma_start3A_44 = arith.constant 0 : i32
      %dma_start3A_45 = tpu.memref_slice %arg11[%dma_start3A_38, %dma_start3A_44] : memref<5x64xi32, #tpu.memory_space<vmem>> -> memref<1x64xi32, #tpu.memory_space<vmem>>
      %dma_start3A_46 = tpu.memref_squeeze %dma_start3A_45 : memref<1x64xi32, #tpu.memory_space<vmem>> -> memref<64xi32, #tpu.memory_space<vmem>>
      %dma_start3A_47 = arith.constant 0 : i32
      %dma_start3A_48 = arith.constant 0 : i32
      %dma_start3A_49 = tpu.memref_slice %arg6[%dma_start3A_47, %dma_start3A_48] : memref<1000000x128xf32, #tpu.memory_space<hbm>> -> memref<1000000x128xf32, #tpu.memory_space<hbm>>
      tpu.enqueue_indirect_dma source(%dma_start3A_49 : memref<1000000x128xf32, #tpu.memory_space<hbm>>) target(%dma_start3A_43 : memref<64x128xf32, #tpu.memory_space<vmem>>) offsets(%dma_start3A_46 : memref<64xi32, #tpu.memory_space<vmem>>) semaphore(%arg17 : memref<!tpu.dma_semaphore, #tpu.memory_space<semaphore_mem>>)
      %dma_start3A_50 = arith.constant 2 : i32
      %dma_start3A_51 = arith.constant 2 : i32
      %dma_start3A_52 = arith.constant 0 : i32
      %dma_start3A_53 = arith.constant 0 : i32
      %dma_start3A_54 = tpu.memref_slice %arg14[%dma_start3A_51, %dma_start3A_52, %dma_start3A_53] : memref<5x64x128xf32, #tpu.memory_space<vmem>> -> memref<1x64x128xf32, #tpu.memory_space<vmem>>
      %dma_start3A_55 = tpu.memref_squeeze %dma_start3A_54 : memref<1x64x128xf32, #tpu.memory_space<vmem>> -> memref<64x128xf32, #tpu.memory_space<vmem>>
      %dma_start3A_56 = arith.constant 0 : i32
      %dma_start3A_57 = tpu.memref_slice %arg11[%dma_start3A_50, %dma_start3A_56] : memref<5x64xi32, #tpu.memory_space<vmem>> -> memref<1x64xi32, #tpu.memory_space<vmem>>
      %dma_start3A_58 = tpu.memref_squeeze %dma_start3A_57 : memref<1x64xi32, #tpu.memory_space<vmem>> -> memref<64xi32, #tpu.memory_space<vmem>>
      %dma_start3A_59 = arith.constant 0 : i32
      %dma_start3A_60 = arith.constant 0 : i32
      %dma_start3A_61 = tpu.memref_slice %arg6[%dma_start3A_59, %dma_start3A_60] : memref<1000000x128xf32, #tpu.memory_space<hbm>> -> memref<1000000x128xf32, #tpu.memory_space<hbm>>
      tpu.enqueue_indirect_dma source(%dma_start3A_61 : memref<1000000x128xf32, #tpu.memory_space<hbm>>) target(%dma_start3A_55 : memref<64x128xf32, #tpu.memory_space<vmem>>) offsets(%dma_start3A_58 : memref<64xi32, #tpu.memory_space<vmem>>) semaphore(%arg17 : memref<!tpu.dma_semaphore, #tpu.memory_space<semaphore_mem>>)
      %dma_start3A_62 = arith.constant 3 : i32
      %dma_start3A_63 = arith.constant 3 : i32
      %dma_start3A_64 = arith.constant 0 : i32
      %dma_start3A_65 = arith.constant 0 : i32
      %dma_start3A_66 = tpu.memref_slice %arg14[%dma_start3A_63, %dma_start3A_64, %dma_start3A_65] : memref<5x64x128xf32, #tpu.memory_space<vmem>> -> memref<1x64x128xf32, #tpu.memory_space<vmem>>
      %dma_start3A_67 = tpu.memref_squeeze %dma_start3A_66 : memref<1x64x128xf32, #tpu.memory_space<vmem>> -> memref<64x128xf32, #tpu.memory_space<vmem>>
      %dma_start3A_68 = arith.constant 0 : i32
      %dma_start3A_69 = tpu.memref_slice %arg11[%dma_start3A_62, %dma_start3A_68] : memref<5x64xi32, #tpu.memory_space<vmem>> -> memref<1x64xi32, #tpu.memory_space<vmem>>
      %dma_start3A_70 = tpu.memref_squeeze %dma_start3A_69 : memref<1x64xi32, #tpu.memory_space<vmem>> -> memref<64xi32, #tpu.memory_space<vmem>>
      %dma_start3A_71 = arith.constant 0 : i32
      %dma_start3A_72 = arith.constant 0 : i32
      %dma_start3A_73 = tpu.memref_slice %arg6[%dma_start3A_71, %dma_start3A_72] : memref<1000000x128xf32, #tpu.memory_space<hbm>> -> memref<1000000x128xf32, #tpu.memory_space<hbm>>
      tpu.enqueue_indirect_dma source(%dma_start3A_73 : memref<1000000x128xf32, #tpu.memory_space<hbm>>) target(%dma_start3A_67 : memref<64x128xf32, #tpu.memory_space<vmem>>) offsets(%dma_start3A_70 : memref<64xi32, #tpu.memory_space<vmem>>) semaphore(%arg17 : memref<!tpu.dma_semaphore, #tpu.memory_space<semaphore_mem>>)
      %dma_start3A_74 = arith.constant 4 : i32
      %dma_start3A_75 = arith.constant 4 : i32
      %dma_start3A_76 = arith.constant 0 : i32
      %dma_start3A_77 = arith.constant 0 : i32
      %dma_start3A_78 = tpu.memref_slice %arg14[%dma_start3A_75, %dma_start3A_76, %dma_start3A_77] : memref<5x64x128xf32, #tpu.memory_space<vmem>> -> memref<1x64x128xf32, #tpu.memory_space<vmem>>
      %dma_start3A_79 = tpu.memref_squeeze %dma_start3A_78 : memref<1x64x128xf32, #tpu.memory_space<vmem>> -> memref<64x128xf32, #tpu.memory_space<vmem>>
      %dma_start3A_80 = arith.constant 0 : i32
      %dma_start3A_81 = tpu.memref_slice %arg11[%dma_start3A_74, %dma_start3A_80] : memref<5x64xi32, #tpu.memory_space<vmem>> -> memref<1x64xi32, #tpu.memory_space<vmem>>
      %dma_start3A_82 = tpu.memref_squeeze %dma_start3A_81 : memref<1x64xi32, #tpu.memory_space<vmem>> -> memref<64xi32, #tpu.memory_space<vmem>>
      %dma_start3A_83 = arith.constant 0 : i32
      %dma_start3A_84 = arith.constant 0 : i32
      %dma_start3A_85 = tpu.memref_slice %arg6[%dma_start3A_83, %dma_start3A_84] : memref<1000000x128xf32, #tpu.memory_space<hbm>> -> memref<1000000x128xf32, #tpu.memory_space<hbm>>
      tpu.enqueue_indirect_dma source(%dma_start3A_85 : memref<1000000x128xf32, #tpu.memory_space<hbm>>) target(%dma_start3A_79 : memref<64x128xf32, #tpu.memory_space<vmem>>) offsets(%dma_start3A_82 : memref<64xi32, #tpu.memory_space<vmem>>) semaphore(%arg17 : memref<!tpu.dma_semaphore, #tpu.memory_space<semaphore_mem>>)
      %dma_wait3A = arith.constant 0 : i32
      %dma_wait3A_86 = arith.constant 0 : i32
      %dma_wait3A_87 = tpu.memref_slice %arg5[%dma_wait3A, %dma_wait3A_86] : memref<1000000x128xf32, #tpu.memory_space<hbm>> -> memref<1000000x128xf32, #tpu.memory_space<hbm>>
      tpu.wait_indirect_dma semaphore(%arg17 : memref<!tpu.dma_semaphore, #tpu.memory_space<semaphore_mem>>) src(%dma_wait3A_87 : memref<1000000x128xf32, #tpu.memory_space<hbm>>) dst(%arg12 : memref<64x128xf32, #tpu.memory_space<vmem>>)
      %dma_wait3A_88 = arith.constant 0 : i32
      %dma_wait3A_89 = arith.constant 0 : i32
      %dma_wait3A_90 = tpu.memref_slice %arg6[%dma_wait3A_88, %dma_wait3A_89] : memref<1000000x128xf32, #tpu.memory_space<hbm>> -> memref<1000000x128xf32, #tpu.memory_space<hbm>>
      tpu.wait_indirect_dma semaphore(%arg17 : memref<!tpu.dma_semaphore, #tpu.memory_space<semaphore_mem>>) src(%dma_wait3A_90 : memref<1000000x128xf32, #tpu.memory_space<hbm>>) dst(%arg13 : memref<64x128xf32, #tpu.memory_space<vmem>>)
      %dma_wait3A_91 = arith.constant 0 : i32
      %dma_wait3A_92 = arith.constant 0 : i32
      %dma_wait3A_93 = arith.constant 0 : i32
      %dma_wait3A_94 = arith.constant 0 : i32
      %dma_wait3A_95 = tpu.memref_slice %arg14[%dma_wait3A_92, %dma_wait3A_93, %dma_wait3A_94] : memref<5x64x128xf32, #tpu.memory_space<vmem>> -> memref<1x64x128xf32, #tpu.memory_space<vmem>>
      %dma_wait3A_96 = tpu.memref_squeeze %dma_wait3A_95 : memref<1x64x128xf32, #tpu.memory_space<vmem>> -> memref<64x128xf32, #tpu.memory_space<vmem>>
      %dma_wait3A_97 = arith.constant 0 : i32
      %dma_wait3A_98 = tpu.memref_slice %arg11[%dma_wait3A_91, %dma_wait3A_97] : memref<5x64xi32, #tpu.memory_space<vmem>> -> memref<1x64xi32, #tpu.memory_space<vmem>>
      %dma_wait3A_99 = tpu.memref_squeeze %dma_wait3A_98 : memref<1x64xi32, #tpu.memory_space<vmem>> -> memref<64xi32, #tpu.memory_space<vmem>>
      %dma_wait3A_100 = arith.constant 0 : i32
      %dma_wait3A_101 = arith.constant 0 : i32
      %dma_wait3A_102 = tpu.memref_slice %arg6[%dma_wait3A_100, %dma_wait3A_101] : memref<1000000x128xf32, #tpu.memory_space<hbm>> -> memref<1000000x128xf32, #tpu.memory_space<hbm>>
      tpu.wait_indirect_dma semaphore(%arg17 : memref<!tpu.dma_semaphore, #tpu.memory_space<semaphore_mem>>) src(%dma_wait3A_102 : memref<1000000x128xf32, #tpu.memory_space<hbm>>) dst(%dma_wait3A_96 : memref<64x128xf32, #tpu.memory_space<vmem>>)
      %dma_wait3A_103 = arith.constant 1 : i32
      %dma_wait3A_104 = arith.constant 1 : i32
      %dma_wait3A_105 = arith.constant 0 : i32
      %dma_wait3A_106 = arith.constant 0 : i32
      %dma_wait3A_107 = tpu.memref_slice %arg14[%dma_wait3A_104, %dma_wait3A_105, %dma_wait3A_106] : memref<5x64x128xf32, #tpu.memory_space<vmem>> -> memref<1x64x128xf32, #tpu.memory_space<vmem>>
      %dma_wait3A_108 = tpu.memref_squeeze %dma_wait3A_107 : memref<1x64x128xf32, #tpu.memory_space<vmem>> -> memref<64x128xf32, #tpu.memory_space<vmem>>
      %dma_wait3A_109 = arith.constant 0 : i32
      %dma_wait3A_110 = tpu.memref_slice %arg11[%dma_wait3A_103, %dma_wait3A_109] : memref<5x64xi32, #tpu.memory_space<vmem>> -> memref<1x64xi32, #tpu.memory_space<vmem>>
      %dma_wait3A_111 = tpu.memref_squeeze %dma_wait3A_110 : memref<1x64xi32, #tpu.memory_space<vmem>> -> memref<64xi32, #tpu.memory_space<vmem>>
      %dma_wait3A_112 = arith.constant 0 : i32
      %dma_wait3A_113 = arith.constant 0 : i32
      %dma_wait3A_114 = tpu.memref_slice %arg6[%dma_wait3A_112, %dma_wait3A_113] : memref<1000000x128xf32, #tpu.memory_space<hbm>> -> memref<1000000x128xf32, #tpu.memory_space<hbm>>
      tpu.wait_indirect_dma semaphore(%arg17 : memref<!tpu.dma_semaphore, #tpu.memory_space<semaphore_mem>>) src(%dma_wait3A_114 : memref<1000000x128xf32, #tpu.memory_space<hbm>>) dst(%dma_wait3A_108 : memref<64x128xf32, #tpu.memory_space<vmem>>)
      %dma_wait3A_115 = arith.constant 2 : i32
      %dma_wait3A_116 = arith.constant 2 : i32
      %dma_wait3A_117 = arith.constant 0 : i32
      %dma_wait3A_118 = arith.constant 0 : i32
      %dma_wait3A_119 = tpu.memref_slice %arg14[%dma_wait3A_116, %dma_wait3A_117, %dma_wait3A_118] : memref<5x64x128xf32, #tpu.memory_space<vmem>> -> memref<1x64x128xf32, #tpu.memory_space<vmem>>
      %dma_wait3A_120 = tpu.memref_squeeze %dma_wait3A_119 : memref<1x64x128xf32, #tpu.memory_space<vmem>> -> memref<64x128xf32, #tpu.memory_space<vmem>>
      %dma_wait3A_121 = arith.constant 0 : i32
      %dma_wait3A_122 = tpu.memref_slice %arg11[%dma_wait3A_115, %dma_wait3A_121] : memref<5x64xi32, #tpu.memory_space<vmem>> -> memref<1x64xi32, #tpu.memory_space<vmem>>
      %dma_wait3A_123 = tpu.memref_squeeze %dma_wait3A_122 : memref<1x64xi32, #tpu.memory_space<vmem>> -> memref<64xi32, #tpu.memory_space<vmem>>
      %dma_wait3A_124 = arith.constant 0 : i32
      %dma_wait3A_125 = arith.constant 0 : i32
      %dma_wait3A_126 = tpu.memref_slice %arg6[%dma_wait3A_124, %dma_wait3A_125] : memref<1000000x128xf32, #tpu.memory_space<hbm>> -> memref<1000000x128xf32, #tpu.memory_space<hbm>>
      tpu.wait_indirect_dma semaphore(%arg17 : memref<!tpu.dma_semaphore, #tpu.memory_space<semaphore_mem>>) src(%dma_wait3A_126 : memref<1000000x128xf32, #tpu.memory_space<hbm>>) dst(%dma_wait3A_120 : memref<64x128xf32, #tpu.memory_space<vmem>>)
      %dma_wait3A_127 = arith.constant 3 : i32
      %dma_wait3A_128 = arith.constant 3 : i32
      %dma_wait3A_129 = arith.constant 0 : i32
      %dma_wait3A_130 = arith.constant 0 : i32
      %dma_wait3A_131 = tpu.memref_slice %arg14[%dma_wait3A_128, %dma_wait3A_129, %dma_wait3A_130] : memref<5x64x128xf32, #tpu.memory_space<vmem>> -> memref<1x64x128xf32, #tpu.memory_space<vmem>>
      %dma_wait3A_132 = tpu.memref_squeeze %dma_wait3A_131 : memref<1x64x128xf32, #tpu.memory_space<vmem>> -> memref<64x128xf32, #tpu.memory_space<vmem>>
      %dma_wait3A_133 = arith.constant 0 : i32
      %dma_wait3A_134 = tpu.memref_slice %arg11[%dma_wait3A_127, %dma_wait3A_133] : memref<5x64xi32, #tpu.memory_space<vmem>> -> memref<1x64xi32, #tpu.memory_space<vmem>>
      %dma_wait3A_135 = tpu.memref_squeeze %dma_wait3A_134 : memref<1x64xi32, #tpu.memory_space<vmem>> -> memref<64xi32, #tpu.memory_space<vmem>>
      %dma_wait3A_136 = arith.constant 0 : i32
      %dma_wait3A_137 = arith.constant 0 : i32
      %dma_wait3A_138 = tpu.memref_slice %arg6[%dma_wait3A_136, %dma_wait3A_137] : memref<1000000x128xf32, #tpu.memory_space<hbm>> -> memref<1000000x128xf32, #tpu.memory_space<hbm>>
      tpu.wait_indirect_dma semaphore(%arg17 : memref<!tpu.dma_semaphore, #tpu.memory_space<semaphore_mem>>) src(%dma_wait3A_138 : memref<1000000x128xf32, #tpu.memory_space<hbm>>) dst(%dma_wait3A_132 : memref<64x128xf32, #tpu.memory_space<vmem>>)
      %dma_wait3A_139 = arith.constant 4 : i32
      %dma_wait3A_140 = arith.constant 4 : i32
      %dma_wait3A_141 = arith.constant 0 : i32
      %dma_wait3A_142 = arith.constant 0 : i32
      %dma_wait3A_143 = tpu.memref_slice %arg14[%dma_wait3A_140, %dma_wait3A_141, %dma_wait3A_142] : memref<5x64x128xf32, #tpu.memory_space<vmem>> -> memref<1x64x128xf32, #tpu.memory_space<vmem>>
      %dma_wait3A_144 = tpu.memref_squeeze %dma_wait3A_143 : memref<1x64x128xf32, #tpu.memory_space<vmem>> -> memref<64x128xf32, #tpu.memory_space<vmem>>
      %dma_wait3A_145 = arith.constant 0 : i32
      %dma_wait3A_146 = tpu.memref_slice %arg11[%dma_wait3A_139, %dma_wait3A_145] : memref<5x64xi32, #tpu.memory_space<vmem>> -> memref<1x64xi32, #tpu.memory_space<vmem>>
      %dma_wait3A_147 = tpu.memref_squeeze %dma_wait3A_146 : memref<1x64xi32, #tpu.memory_space<vmem>> -> memref<64xi32, #tpu.memory_space<vmem>>
      %dma_wait3A_148 = arith.constant 0 : i32
      %dma_wait3A_149 = arith.constant 0 : i32
      %dma_wait3A_150 = tpu.memref_slice %arg6[%dma_wait3A_148, %dma_wait3A_149] : memref<1000000x128xf32, #tpu.memory_space<hbm>> -> memref<1000000x128xf32, #tpu.memory_space<hbm>>
      tpu.wait_indirect_dma semaphore(%arg17 : memref<!tpu.dma_semaphore, #tpu.memory_space<semaphore_mem>>) src(%dma_wait3A_150 : memref<1000000x128xf32, #tpu.memory_space<hbm>>) dst(%dma_wait3A_144 : memref<64x128xf32, #tpu.memory_space<vmem>>)
      %scan3A_151 = arith.constant 0 : i32
      %scan3A_152 = arith.constant 0 : i32
      %scan3A_153 = arith.constant 64 : i32
      %scan3A_154 = arith.addi %scan3A_152, %scan3A_153 : i32
      %scan3A_155 = arith.constant 1 : i32
      scf.for %scan3A_157 = %scan3A_152 to %scan3A_154 step %scan3A_155  : i32 {
        %broadcast_in_dim3A = arith.constant 0.000000e+00 : f32
        %broadcast_in_dim3A_158 = vector.broadcast %broadcast_in_dim3A : f32 to vector<16xf32>
        %broadcast_in_dim3A_159 = arith.constant 0.000000e+00 : f32
        %broadcast_in_dim3A_160 = vector.broadcast %broadcast_in_dim3A_159 : f32 to vector<16xf32>
        %get3A = arith.index_cast %scan3A_157 : i32 to index
        %get3A_161 = arith.constant 0 : index
        %get3A_162 = tpu.vector_load %arg12[%get3A, %get3A_161] {strides = array<i32>} : memref<64x128xf32, #tpu.memory_space<vmem>>, vector<1x16xf32>,
        %get3A_163 = vector.shape_cast %get3A_162 : vector<1x16xf32> to vector<16xf32>
        %get3A_164 = arith.index_cast %scan3A_157 : i32 to index
        %get3A_165 = arith.constant 0 : index
        %get3A_166 = tpu.vector_load %arg13[%get3A_164, %get3A_165] {strides = array<i32>} : memref<64x128xf32, #tpu.memory_space<vmem>>, vector<1x16xf32>,
        %get3A_167 = vector.shape_cast %get3A_166 : vector<1x16xf32> to vector<16xf32>
        %mul3A_168 = arith.mulf %get3A_163, %get3A_167 : vector<16xf32>
        %add3A_169 = arith.addf %broadcast_in_dim3A_158, %mul3A_168 : vector<16xf32>
        %get3A_170 = arith.constant 0 : i32
        %get3A_171 = arith.index_cast %get3A_170 : i32 to index
        %get3A_172 = arith.index_cast %scan3A_157 : i32 to index
        %get3A_173 = arith.constant 0 : index
        %get3A_174 = tpu.vector_load %arg14[%get3A_171, %get3A_172, %get3A_173] {strides = array<i32>} : memref<5x64x128xf32, #tpu.memory_space<vmem>>, vector<1x1x16xf32>,
        %get3A_175 = vector.shape_cast %get3A_174 : vector<1x1x16xf32> to vector<16xf32>
        %get3A_176 = arith.constant 1 : i32
        %get3A_177 = arith.index_cast %get3A_176 : i32 to index
        %get3A_178 = arith.index_cast %scan3A_157 : i32 to index
        %get3A_179 = arith.constant 0 : index
        %get3A_180 = tpu.vector_load %arg14[%get3A_177, %get3A_178, %get3A_179] {strides = array<i32>} : memref<5x64x128xf32, #tpu.memory_space<vmem>>, vector<1x1x16xf32>,
        %get3A_181 = vector.shape_cast %get3A_180 : vector<1x1x16xf32> to vector<16xf32>
        %add3A_182 = arith.addf %get3A_175, %get3A_181 : vector<16xf32>
        %get3A_183 = arith.constant 2 : i32
        %get3A_184 = arith.index_cast %get3A_183 : i32 to index
        %get3A_185 = arith.index_cast %scan3A_157 : i32 to index
        %get3A_186 = arith.constant 0 : index
        %get3A_187 = tpu.vector_load %arg14[%get3A_184, %get3A_185, %get3A_186] {strides = array<i32>} : memref<5x64x128xf32, #tpu.memory_space<vmem>>, vector<1x1x16xf32>,
        %get3A_188 = vector.shape_cast %get3A_187 : vector<1x1x16xf32> to vector<16xf32>
        %add3A_189 = arith.addf %add3A_182, %get3A_188 : vector<16xf32>
        %get3A_190 = arith.constant 3 : i32
        %get3A_191 = arith.index_cast %get3A_190 : i32 to index
        %get3A_192 = arith.index_cast %scan3A_157 : i32 to index
        %get3A_193 = arith.constant 0 : index
        %get3A_194 = tpu.vector_load %arg14[%get3A_191, %get3A_192, %get3A_193] {strides = array<i32>} : memref<5x64x128xf32, #tpu.memory_space<vmem>>, vector<1x1x16xf32>,
        %get3A_195 = vector.shape_cast %get3A_194 : vector<1x1x16xf32> to vector<16xf32>
        %add3A_196 = arith.addf %add3A_189, %get3A_195 : vector<16xf32>
        %get3A_197 = arith.constant 4 : i32
        %get3A_198 = arith.index_cast %get3A_197 : i32 to index
        %get3A_199 = arith.index_cast %scan3A_157 : i32 to index
        %get3A_200 = arith.constant 0 : index
        %get3A_201 = tpu.vector_load %arg14[%get3A_198, %get3A_199, %get3A_200] {strides = array<i32>} : memref<5x64x128xf32, #tpu.memory_space<vmem>>, vector<1x1x16xf32>,
        %get3A_202 = vector.shape_cast %get3A_201 : vector<1x1x16xf32> to vector<16xf32>
        %add3A_203 = arith.addf %add3A_196, %get3A_202 : vector<16xf32>
        %mul3A_204 = arith.mulf %get3A_163, %add3A_203 : vector<16xf32>
        %add3A_205 = arith.addf %broadcast_in_dim3A_160, %mul3A_204 : vector<16xf32>
        %get3A_206 = arith.index_cast %scan3A_157 : i32 to index
        %get3A_207 = arith.constant 16 : index
        %get3A_208 = tpu.vector_load %arg12[%get3A_206, %get3A_207] {strides = array<i32>} : memref<64x128xf32, #tpu.memory_space<vmem>>, vector<1x16xf32>,
        %get3A_209 = vector.shape_cast %get3A_208 : vector<1x16xf32> to vector<16xf32>
        %get3A_210 = arith.index_cast %scan3A_157 : i32 to index
        %get3A_211 = arith.constant 16 : index
        %get3A_212 = tpu.vector_load %arg13[%get3A_210, %get3A_211] {strides = array<i32>} : memref<64x128xf32, #tpu.memory_space<vmem>>, vector<1x16xf32>,
        %get3A_213 = vector.shape_cast %get3A_212 : vector<1x16xf32> to vector<16xf32>
        %mul3A_214 = arith.mulf %get3A_209, %get3A_213 : vector<16xf32>
        %add3A_215 = arith.addf %add3A_169, %mul3A_214 : vector<16xf32>
        %get3A_216 = arith.constant 0 : i32
        %get3A_217 = arith.index_cast %get3A_216 : i32 to index
        %get3A_218 = arith.index_cast %scan3A_157 : i32 to index
        %get3A_219 = arith.constant 16 : index
        %get3A_220 = tpu.vector_load %arg14[%get3A_217, %get3A_218, %get3A_219] {strides = array<i32>} : memref<5x64x128xf32, #tpu.memory_space<vmem>>, vector<1x1x16xf32>,
        %get3A_221 = vector.shape_cast %get3A_220 : vector<1x1x16xf32> to vector<16xf32>
        %get3A_222 = arith.constant 1 : i32
        %get3A_223 = arith.index_cast %get3A_222 : i32 to index
        %get3A_224 = arith.index_cast %scan3A_157 : i32 to index
        %get3A_225 = arith.constant 16 : index
        %get3A_226 = tpu.vector_load %arg14[%get3A_223, %get3A_224, %get3A_225] {strides = array<i32>} : memref<5x64x128xf32, #tpu.memory_space<vmem>>, vector<1x1x16xf32>,
        %get3A_227 = vector.shape_cast %get3A_226 : vector<1x1x16xf32> to vector<16xf32>
        %add3A_228 = arith.addf %get3A_221, %get3A_227 : vector<16xf32>
        %get3A_229 = arith.constant 2 : i32
        %get3A_230 = arith.index_cast %get3A_229 : i32 to index
        %get3A_231 = arith.index_cast %scan3A_157 : i32 to index
        %get3A_232 = arith.constant 16 : index
        %get3A_233 = tpu.vector_load %arg14[%get3A_230, %get3A_231, %get3A_232] {strides = array<i32>} : memref<5x64x128xf32, #tpu.memory_space<vmem>>, vector<1x1x16xf32>,
        %get3A_234 = vector.shape_cast %get3A_233 : vector<1x1x16xf32> to vector<16xf32>
        %add3A_235 = arith.addf %add3A_228, %get3A_234 : vector<16xf32>
        %get3A_236 = arith.constant 3 : i32
        %get3A_237 = arith.index_cast %get3A_236 : i32 to index
        %get3A_238 = arith.index_cast %scan3A_157 : i32 to index
        %get3A_239 = arith.constant 16 : index
        %get3A_240 = tpu.vector_load %arg14[%get3A_237, %get3A_238, %get3A_239] {strides = array<i32>} : memref<5x64x128xf32, #tpu.memory_space<vmem>>, vector<1x1x16xf32>,
        %get3A_241 = vector.shape_cast %get3A_240 : vector<1x1x16xf32> to vector<16xf32>
        %add3A_242 = arith.addf %add3A_235, %get3A_241 : vector<16xf32>
        %get3A_243 = arith.constant 4 : i32
        %get3A_244 = arith.index_cast %get3A_243 : i32 to index
        %get3A_245 = arith.index_cast %scan3A_157 : i32 to index
        %get3A_246 = arith.constant 16 : index
        %get3A_247 = tpu.vector_load %arg14[%get3A_244, %get3A_245, %get3A_246] {strides = array<i32>} : memref<5x64x128xf32, #tpu.memory_space<vmem>>, vector<1x1x16xf32>,
        %get3A_248 = vector.shape_cast %get3A_247 : vector<1x1x16xf32> to vector<16xf32>
        %add3A_249 = arith.addf %add3A_242, %get3A_248 : vector<16xf32>
        %mul3A_250 = arith.mulf %get3A_209, %add3A_249 : vector<16xf32>
        %add3A_251 = arith.addf %add3A_205, %mul3A_250 : vector<16xf32>
        %get3A_252 = arith.index_cast %scan3A_157 : i32 to index
        %get3A_253 = arith.constant 32 : index
        %get3A_254 = tpu.vector_load %arg12[%get3A_252, %get3A_253] {strides = array<i32>} : memref<64x128xf32, #tpu.memory_space<vmem>>, vector<1x16xf32>,
        %get3A_255 = vector.shape_cast %get3A_254 : vector<1x16xf32> to vector<16xf32>
        %get3A_256 = arith.index_cast %scan3A_157 : i32 to index
        %get3A_257 = arith.constant 32 : index
        %get3A_258 = tpu.vector_load %arg13[%get3A_256, %get3A_257] {strides = array<i32>} : memref<64x128xf32, #tpu.memory_space<vmem>>, vector<1x16xf32>,
        %get3A_259 = vector.shape_cast %get3A_258 : vector<1x16xf32> to vector<16xf32>
        %mul3A_260 = arith.mulf %get3A_255, %get3A_259 : vector<16xf32>
        %add3A_261 = arith.addf %add3A_215, %mul3A_260 : vector<16xf32>
        %get3A_262 = arith.constant 0 : i32
        %get3A_263 = arith.index_cast %get3A_262 : i32 to index
        %get3A_264 = arith.index_cast %scan3A_157 : i32 to index
        %get3A_265 = arith.constant 32 : index
        %get3A_266 = tpu.vector_load %arg14[%get3A_263, %get3A_264, %get3A_265] {strides = array<i32>} : memref<5x64x128xf32, #tpu.memory_space<vmem>>, vector<1x1x16xf32>,
        %get3A_267 = vector.shape_cast %get3A_266 : vector<1x1x16xf32> to vector<16xf32>
        %get3A_268 = arith.constant 1 : i32
        %get3A_269 = arith.index_cast %get3A_268 : i32 to index
        %get3A_270 = arith.index_cast %scan3A_157 : i32 to index
        %get3A_271 = arith.constant 32 : index
        %get3A_272 = tpu.vector_load %arg14[%get3A_269, %get3A_270, %get3A_271] {strides = array<i32>} : memref<5x64x128xf32, #tpu.memory_space<vmem>>, vector<1x1x16xf32>,
        %get3A_273 = vector.shape_cast %get3A_272 : vector<1x1x16xf32> to vector<16xf32>
        %add3A_274 = arith.addf %get3A_267, %get3A_273 : vector<16xf32>
        %get3A_275 = arith.constant 2 : i32
        %get3A_276 = arith.index_cast %get3A_275 : i32 to index
        %get3A_277 = arith.index_cast %scan3A_157 : i32 to index
        %get3A_278 = arith.constant 32 : index
        %get3A_279 = tpu.vector_load %arg14[%get3A_276, %get3A_277, %get3A_278] {strides = array<i32>} : memref<5x64x128xf32, #tpu.memory_space<vmem>>, vector<1x1x16xf32>,
        %get3A_280 = vector.shape_cast %get3A_279 : vector<1x1x16xf32> to vector<16xf32>
        %add3A_281 = arith.addf %add3A_274, %get3A_280 : vector<16xf32>
        %get3A_282 = arith.constant 3 : i32
        %get3A_283 = arith.index_cast %get3A_282 : i32 to index
        %get3A_284 = arith.index_cast %scan3A_157 : i32 to index
        %get3A_285 = arith.constant 32 : index
        %get3A_286 = tpu.vector_load %arg14[%get3A_283, %get3A_284, %get3A_285] {strides = array<i32>} : memref<5x64x128xf32, #tpu.memory_space<vmem>>, vector<1x1x16xf32>,
        %get3A_287 = vector.shape_cast %get3A_286 : vector<1x1x16xf32> to vector<16xf32>
        %add3A_288 = arith.addf %add3A_281, %get3A_287 : vector<16xf32>
        %get3A_289 = arith.constant 4 : i32
        %get3A_290 = arith.index_cast %get3A_289 : i32 to index
        %get3A_291 = arith.index_cast %scan3A_157 : i32 to index
        %get3A_292 = arith.constant 32 : index
        %get3A_293 = tpu.vector_load %arg14[%get3A_290, %get3A_291, %get3A_292] {strides = array<i32>} : memref<5x64x128xf32, #tpu.memory_space<vmem>>, vector<1x1x16xf32>,
        %get3A_294 = vector.shape_cast %get3A_293 : vector<1x1x16xf32> to vector<16xf32>
        %add3A_295 = arith.addf %add3A_288, %get3A_294 : vector<16xf32>
        %mul3A_296 = arith.mulf %get3A_255, %add3A_295 : vector<16xf32>
        %add3A_297 = arith.addf %add3A_251, %mul3A_296 : vector<16xf32>
        %get3A_298 = arith.index_cast %scan3A_157 : i32 to index
        %get3A_299 = arith.constant 48 : index
        %get3A_300 = tpu.vector_load %arg12[%get3A_298, %get3A_299] {strides = array<i32>} : memref<64x128xf32, #tpu.memory_space<vmem>>, vector<1x16xf32>,
        %get3A_301 = vector.shape_cast %get3A_300 : vector<1x16xf32> to vector<16xf32>
        %get3A_302 = arith.index_cast %scan3A_157 : i32 to index
        %get3A_303 = arith.constant 48 : index
        %get3A_304 = tpu.vector_load %arg13[%get3A_302, %get3A_303] {strides = array<i32>} : memref<64x128xf32, #tpu.memory_space<vmem>>, vector<1x16xf32>,
        %get3A_305 = vector.shape_cast %get3A_304 : vector<1x16xf32> to vector<16xf32>
        %mul3A_306 = arith.mulf %get3A_301, %get3A_305 : vector<16xf32>
        %add3A_307 = arith.addf %add3A_261, %mul3A_306 : vector<16xf32>
        %get3A_308 = arith.constant 0 : i32
        %get3A_309 = arith.index_cast %get3A_308 : i32 to index
        %get3A_310 = arith.index_cast %scan3A_157 : i32 to index
        %get3A_311 = arith.constant 48 : index
        %get3A_312 = tpu.vector_load %arg14[%get3A_309, %get3A_310, %get3A_311] {strides = array<i32>} : memref<5x64x128xf32, #tpu.memory_space<vmem>>, vector<1x1x16xf32>,
        %get3A_313 = vector.shape_cast %get3A_312 : vector<1x1x16xf32> to vector<16xf32>
        %get3A_314 = arith.constant 1 : i32
        %get3A_315 = arith.index_cast %get3A_314 : i32 to index
        %get3A_316 = arith.index_cast %scan3A_157 : i32 to index
        %get3A_317 = arith.constant 48 : index
        %get3A_318 = tpu.vector_load %arg14[%get3A_315, %get3A_316, %get3A_317] {strides = array<i32>} : memref<5x64x128xf32, #tpu.memory_space<vmem>>, vector<1x1x16xf32>,
        %get3A_319 = vector.shape_cast %get3A_318 : vector<1x1x16xf32> to vector<16xf32>
        %add3A_320 = arith.addf %get3A_313, %get3A_319 : vector<16xf32>
        %get3A_321 = arith.constant 2 : i32
        %get3A_322 = arith.index_cast %get3A_321 : i32 to index
        %get3A_323 = arith.index_cast %scan3A_157 : i32 to index
        %get3A_324 = arith.constant 48 : index
        %get3A_325 = tpu.vector_load %arg14[%get3A_322, %get3A_323, %get3A_324] {strides = array<i32>} : memref<5x64x128xf32, #tpu.memory_space<vmem>>, vector<1x1x16xf32>,
        %get3A_326 = vector.shape_cast %get3A_325 : vector<1x1x16xf32> to vector<16xf32>
        %add3A_327 = arith.addf %add3A_320, %get3A_326 : vector<16xf32>
        %get3A_328 = arith.constant 3 : i32
        %get3A_329 = arith.index_cast %get3A_328 : i32 to index
        %get3A_330 = arith.index_cast %scan3A_157 : i32 to index
        %get3A_331 = arith.constant 48 : index
        %get3A_332 = tpu.vector_load %arg14[%get3A_329, %get3A_330, %get3A_331] {strides = array<i32>} : memref<5x64x128xf32, #tpu.memory_space<vmem>>, vector<1x1x16xf32>,
        %get3A_333 = vector.shape_cast %get3A_332 : vector<1x1x16xf32> to vector<16xf32>
        %add3A_334 = arith.addf %add3A_327, %get3A_333 : vector<16xf32>
        %get3A_335 = arith.constant 4 : i32
        %get3A_336 = arith.index_cast %get3A_335 : i32 to index
        %get3A_337 = arith.index_cast %scan3A_157 : i32 to index
        %get3A_338 = arith.constant 48 : index
        %get3A_339 = tpu.vector_load %arg14[%get3A_336, %get3A_337, %get3A_338] {strides = array<i32>} : memref<5x64x128xf32, #tpu.memory_space<vmem>>, vector<1x1x16xf32>,
        %get3A_340 = vector.shape_cast %get3A_339 : vector<1x1x16xf32> to vector<16xf32>
        %add3A_341 = arith.addf %add3A_334, %get3A_340 : vector<16xf32>
        %mul3A_342 = arith.mulf %get3A_301, %add3A_341 : vector<16xf32>
        %add3A_343 = arith.addf %add3A_297, %mul3A_342 : vector<16xf32>
        %swap3A = arith.index_cast %scan3A_157 : i32 to index
        %swap3A_344 = arith.constant 0 : index
        %swap3A_345 = tpu.vector_load %arg15[%swap3A, %swap3A_344] {strides = array<i32>} : memref<64x16xf32, #tpu.memory_space<vmem>>, vector<1x16xf32>,
        %swap3A_346 = vector.shape_cast %swap3A_345 : vector<1x16xf32> to vector<16xf32>
        %swap3A_347 = vector.shape_cast %add3A_307 : vector<16xf32> to vector<1x16xf32>
        tpu.vector_store %arg15[%swap3A, %swap3A_344], %swap3A_347 {strides = array<i32>} : memref<64x16xf32, #tpu.memory_space<vmem>>, vector<1x16xf32>,
        %swap3A_348 = arith.index_cast %scan3A_157 : i32 to index
        %swap3A_349 = arith.constant 0 : index
        %swap3A_350 = tpu.vector_load %arg16[%swap3A_348, %swap3A_349] {strides = array<i32>} : memref<64x16xf32, #tpu.memory_space<vmem>>, vector<1x16xf32>,
        %swap3A_351 = vector.shape_cast %swap3A_350 : vector<1x16xf32> to vector<16xf32>
        %swap3A_352 = vector.shape_cast %add3A_343 : vector<16xf32> to vector<1x16xf32>
        tpu.vector_store %arg16[%swap3A_348, %swap3A_349], %swap3A_352 {strides = array<i32>} : memref<64x16xf32, #tpu.memory_space<vmem>>, vector<1x16xf32>,
      }
      %scan3A_156 = arith.constant 64 : i32
      "tpu.region"() ({
        %run_scoped3A_157 = tpu.sem_alloc : memref<!tpu.dma_semaphore, #tpu.memory_space<semaphore_mem>>
        %dma_start3A_158 = arith.constant 0 : i32
        %dma_start3A_159 = tpu.memref_slice %arg7[%add3A_11, %dma_start3A_158] : memref<16384x16xf32, #tpu.memory_space<hbm>> -> memref<64x16xf32, #tpu.memory_space<hbm>>
        %dma_start3A_160 = arith.constant 0 : i32
        %dma_start3A_161 = tpu.memref_slice %arg7[%add3A_11, %dma_start3A_160] : memref<16384x16xf32, #tpu.memory_space<hbm>> -> memref<64x16xf32, #tpu.memory_space<hbm>>
        tpu.enqueue_dma source(%arg15 : memref<64x16xf32, #tpu.memory_space<vmem>>) target(%dma_start3A_161 : memref<64x16xf32, #tpu.memory_space<hbm>>) target_semaphore(%run_scoped3A_157 : memref<!tpu.dma_semaphore, #tpu.memory_space<semaphore_mem>>)
        %dma_wait3A_162 = arith.constant 0 : i32
        %dma_wait3A_163 = tpu.memref_slice %arg7[%add3A_11, %dma_wait3A_162] : memref<16384x16xf32, #tpu.memory_space<hbm>> -> memref<64x16xf32, #tpu.memory_space<hbm>>
        %dma_wait3A_164 = arith.constant 0 : i32
        %dma_wait3A_165 = tpu.memref_slice %arg7[%add3A_11, %dma_wait3A_164] : memref<16384x16xf32, #tpu.memory_space<hbm>> -> memref<64x16xf32, #tpu.memory_space<hbm>>
        tpu.wait_dma2 semaphore(%run_scoped3A_157 : memref<!tpu.dma_semaphore, #tpu.memory_space<semaphore_mem>>) src(%arg15 : memref<64x16xf32, #tpu.memory_space<vmem>>) dst(%dma_wait3A_165 : memref<64x16xf32, #tpu.memory_space<hbm>>)
        tpu.yield
      }) : () -> ()
      "tpu.region"() ({
        %run_scoped3A_157 = tpu.sem_alloc : memref<!tpu.dma_semaphore, #tpu.memory_space<semaphore_mem>>
        %dma_start3A_158 = arith.constant 0 : i32
        %dma_start3A_159 = tpu.memref_slice %arg8[%add3A_11, %dma_start3A_158] : memref<16384x16xf32, #tpu.memory_space<hbm>> -> memref<64x16xf32, #tpu.memory_space<hbm>>
        %dma_start3A_160 = arith.constant 0 : i32
        %dma_start3A_161 = tpu.memref_slice %arg8[%add3A_11, %dma_start3A_160] : memref<16384x16xf32, #tpu.memory_space<hbm>> -> memref<64x16xf32, #tpu.memory_space<hbm>>
        tpu.enqueue_dma source(%arg16 : memref<64x16xf32, #tpu.memory_space<vmem>>) target(%dma_start3A_161 : memref<64x16xf32, #tpu.memory_space<hbm>>) target_semaphore(%run_scoped3A_157 : memref<!tpu.dma_semaphore, #tpu.memory_space<semaphore_mem>>)
        %dma_wait3A_162 = arith.constant 0 : i32
        %dma_wait3A_163 = tpu.memref_slice %arg8[%add3A_11, %dma_wait3A_162] : memref<16384x16xf32, #tpu.memory_space<hbm>> -> memref<64x16xf32, #tpu.memory_space<hbm>>
        %dma_wait3A_164 = arith.constant 0 : i32
        %dma_wait3A_165 = tpu.memref_slice %arg8[%add3A_11, %dma_wait3A_164] : memref<16384x16xf32, #tpu.memory_space<hbm>> -> memref<64x16xf32, #tpu.memory_space<hbm>>
        tpu.wait_dma2 semaphore(%run_scoped3A_157 : memref<!tpu.dma_semaphore, #tpu.memory_space<semaphore_mem>>) src(%arg16 : memref<64x16xf32, #tpu.memory_space<vmem>>) dst(%dma_wait3A_165 : memref<64x16xf32, #tpu.memory_space<hbm>>)
        tpu.yield
      }) : () -> ()
    }
    %scan3A_5 = arith.constant 8 : i32
    return
  }
}

module attributes {stable_mosaic.version = 14 : i64} {
  func.func @body(%arg0: memref<16384x16xf32, #tpu.memory_space<vmem>>, %arg1: memref<16384x16xf32, #tpu.memory_space<vmem>>, %arg2: memref<1x1xf32, #tpu.memory_space<smem>>) attributes {dimension_semantics = [], scalar_prefetch = 0 : i64, scratch_operands = 0 : i64, tpu.core_type = #tpu.core_type<tc>} {
    %get3A = arith.constant 0 : index
    %get3A_0 = arith.constant 0 : index
    %get3A_1 = vector.load %arg0[%get3A, %get3A_0] : memref<16384x16xf32, #tpu.memory_space<vmem>>, vector<16384x16xf32>
    %reduce_sum3A = arith.constant dense<0.000000e+00> : vector<16384xf32>
    %reduce_sum3A_2 = vector.multi_reduction <add>, %get3A_1, %reduce_sum3A [1] : vector<16384x16xf32> to vector<16384xf32>
    %broadcast_in_dim3A = vector.shape_cast %reduce_sum3A_2 : vector<16384xf32> to vector<16384x1xf32>
    %get3A_3 = arith.constant 0 : index
    %get3A_4 = arith.constant 0 : index
    %get3A_5 = vector.load %arg1[%get3A_3, %get3A_4] : memref<16384x16xf32, #tpu.memory_space<vmem>>, vector<16384x16xf32>
    %reduce_sum3A_6 = arith.constant dense<0.000000e+00> : vector<16384xf32>
    %reduce_sum3A_7 = vector.multi_reduction <add>, %get3A_5, %reduce_sum3A_6 [1] : vector<16384x16xf32> to vector<16384xf32>
    %broadcast_in_dim3A_8 = vector.shape_cast %reduce_sum3A_7 : vector<16384xf32> to vector<16384x1xf32>
    %min3A = arith.constant 0.000000e+00 : f32
    %min3A_9 = vector.broadcast %min3A : f32 to vector<16384x1xf32>
    %min3A_10 = arith.minimumf %broadcast_in_dim3A, %min3A_9 : vector<16384x1xf32>
    %abs3A = math.absf %broadcast_in_dim3A : vector<16384x1xf32>
    %neg3A = arith.constant 0.000000e+00 : f32
    %neg3A_11 = vector.broadcast %neg3A : f32 to vector<16384x1xf32>
    %neg3A_12 = arith.subf %neg3A_11, %abs3A : vector<16384x1xf32>
    %exp3A = math.exp %neg3A_12 : vector<16384x1xf32>
    %log1p3A = math.log1p %exp3A : vector<16384x1xf32>
    %sub3A = arith.subf %min3A_10, %log1p3A : vector<16384x1xf32>
    %reduce_sum3A_13 = vector.shape_cast %sub3A : vector<16384x1xf32> to vector<1x16384x1xf32>
    %reduce_sum3A_14 = arith.constant dense<0.000000e+00> : vector<1xf32>
    %reduce_sum3A_15 = vector.multi_reduction <add>, %reduce_sum3A_13, %reduce_sum3A_14 [1, 2] : vector<1x16384x1xf32> to vector<1xf32>
    %reduce_sum3A_16 = vector.shape_cast %reduce_sum3A_15 : vector<1xf32> to vector<1x1x1xf32>
    %reduce_sum3A_17 = vector.extract %reduce_sum3A_16[0, 0, 0] : f32 from vector<1x1x1xf32>
    %neg3A_18 = arith.constant 0.000000e+00 : f32
    %neg3A_19 = vector.broadcast %neg3A_18 : f32 to vector<16384x1xf32>
    %neg3A_20 = arith.subf %neg3A_19, %broadcast_in_dim3A_8 : vector<16384x1xf32>
    %min3A_21 = arith.constant 0.000000e+00 : f32
    %min3A_22 = vector.broadcast %min3A_21 : f32 to vector<16384x1xf32>
    %min3A_23 = arith.minimumf %neg3A_20, %min3A_22 : vector<16384x1xf32>
    %abs3A_24 = math.absf %neg3A_20 : vector<16384x1xf32>
    %neg3A_25 = arith.constant 0.000000e+00 : f32
    %neg3A_26 = vector.broadcast %neg3A_25 : f32 to vector<16384x1xf32>
    %neg3A_27 = arith.subf %neg3A_26, %abs3A_24 : vector<16384x1xf32>
    %exp3A_28 = math.exp %neg3A_27 : vector<16384x1xf32>
    %log1p3A_29 = math.log1p %exp3A_28 : vector<16384x1xf32>
    %sub3A_30 = arith.subf %min3A_23, %log1p3A_29 : vector<16384x1xf32>
    %reduce_sum3A_31 = vector.shape_cast %sub3A_30 : vector<16384x1xf32> to vector<1x16384x1xf32>
    %reduce_sum3A_32 = arith.constant dense<0.000000e+00> : vector<1xf32>
    %reduce_sum3A_33 = vector.multi_reduction <add>, %reduce_sum3A_31, %reduce_sum3A_32 [1, 2] : vector<1x16384x1xf32> to vector<1xf32>
    %reduce_sum3A_34 = vector.shape_cast %reduce_sum3A_33 : vector<1xf32> to vector<1x1x1xf32>
    %reduce_sum3A_35 = vector.extract %reduce_sum3A_34[0, 0, 0] : f32 from vector<1x1x1xf32>
    %add3A = arith.addf %reduce_sum3A_17, %reduce_sum3A_35 : f32
    %neg3A_36 = arith.constant 0.000000e+00 : f32
    %neg3A_37 = arith.subf %neg3A_36, %add3A : f32
    %mul3A = arith.constant 6.10351563E-5 : f32
    %mul3A_38 = arith.mulf %neg3A_37, %mul3A : f32
    %swap3A = arith.constant 0 : index
    %swap3A_39 = arith.constant 0 : index
    %swap3A_40 = memref.load %arg2[%swap3A, %swap3A_39] : memref<1x1xf32, #tpu.memory_space<smem>>
    memref.store %mul3A_38, %arg2[%swap3A, %swap3A_39] : memref<1x1xf32, #tpu.memory_space<smem>>
    return
  }
}

</mosaic_0001>

<sc_bundles>
// kernel: kernel.4.cloned.1.call-start
scs
__scs_entry_jumppad:
0x0: {  	(pc) =	sbr.rel $0x88, $3  }
0x1: {  	(tag) =	ssettag $0x0;
	lr =	simm.s32 $0x1  }
0x2: {  	[smem:$0x3F9C] =	sst lr;
	_ =	strace $0xD0000000  }
0x3: {  	_ = 	snop  }
0x4: {  	_ = 	snop  }
0x5: {  	_ = 	snop  }
0x6: {  	_ = 	snop  }
0x7: {  	_ = 	snop  }
__scs_overlays_trampoline_lowered:
0x8: {  	[smem:$0x3FAB] =	sst s0  }
0x9: {  	[smem:$0x3FAC] =	sst s1  }
0xa: {  	[smem:$0x3FAD] =	sst s2  }
0xb: {  	[smem:$0x3FAE] =	sst s3  }
0xc: {  	[smem:$0x3FAF] =	sst s4  }
0xd: {  	[smem:$0x3FB0] =	sst s5  }
0xe: {  	[smem:$0x3FB1] =	sst s6  }
0xf: {  	[smem:$0x3FB2] =	sst s7  }
0x10: {  	[smem:$0x3FB3] =	sst s8  }
0x11: {  	[smem:$0x3FB4] =	sst s9;
	s0 =	simm.s32 @!p0 $0x0  }
0x12: {  	s1 =	sld [smem:$0x3F9A];
	s0 =	simm.s32 @p0 $0x1  }
0x13: {  	[smem:$0x3FB5] =	sst s0;
	s0 =	simm.s32 @!p1 $0x0  }
0x14: {  	s2 =	sld [smem:$0x3F99];
	s0 =	simm.s32 @p1 $0x1  }
0x15: {  	[smem:$0x3FB6] =	sst s0;
	s0 =	simm.s32 @!p2 $0x0  }
0x16: {  	s3 =	sld [smem:$0x3FDB];
	s0 =	simm.s32 @p2 $0x1  }
0x17: {  	s4 =	simm.s32 $0x1BF5;
	[smem:$0x3FB8] =	sst s0  }
0x18: {  	s0 =	sld [smem:$0x3F9B];
	_ =	swait.ge [sflag:s4], $0x0  }
0x19: {  	s7 =	sld [smem:$0x3F9C]  }
0x1a: {  	s8 =	sadd.s32 $0xFFFFE003, lr  }
0x1b: {  	s9 =	sadd.s32 $0xFFFFFEF7, lr;
	s5 =	simm.s32 $0xFFFFFFFF;
	p2 =	slt.u32 s8, $0xFFFFF086  }
0x1c: {  	p1 =	slt.u32 s9, $0xF7A;
	s5 =	simm.s32 @!p2 $0x0  }
0x1d: {  	s5 =	simm.s32 @p1 $0x1;
	p0 =	seq.s32 s7, s2  }
0x1e: {  	s7 =	smul.u32 @!p0 $0xF7A, s2;
	p2 =	seq.s32 @!p0 s5, $0x0  }
0x1f: {  	s9 =	smul.u32 $0xF7A, s1;
	s8 =	simm.s32 @!p0 $0x1BF5;
	p2 =	por !p2, p0  }
0x20: {  	[sflag:s8] =	ssyncset.s32 @!p0 $0xFFFFF086;
	s6 =	sadd.s32 @!p0 s3, s7;
	s7 =	simm.s32 @!p0 $0x108  }
0x21: {  	s3 =	sadd.s32 s3, s9;
	s6 =	sadd.s32 @!p0 $0x88, s6;
	s7 =	simm.s32 @p2 $0x1082  }
0x22: {  	[simem:s7], [sflag:s8] =	dma.local @!p0 [hbm:s6], $0xF7A  }
0x23: {  	s9 =	sor.u32 $0xD0000000, s2;
	s6 =	simm.s32 $0x108;
	_ =	swait.ge @!p0 [sflag:s8], $0x0  }
0x24: {  	s3 =	sadd.s32 $0x88, s3;
	s6 =	simm.s32 @!p1 $0x1082;
	[sflag:s4] =	ssyncset.s32 $0xFFFFF086  }
0x25: {  	[simem:s6], [sflag:s4] =	dma.local [hbm:s3], $0xF7A  }
0x26: {  	[smem:$0x3F9C] =	sst s1;
	(tag) =	ssettag s2;
	_ =	strace s9  }
0x27: {  	s1 =	sld [smem:$0x3FAC]  }
0x28: {  	s2 =	sld [smem:$0x3FAD]  }
0x29: {  	s4 =	sld [smem:$0x3FAF]  }
0x2a: {  	p0 =	seq.s32 s5, $0x0;
	s5 =	sld [smem:$0x3FB0]  }
0x2b: {  	s6 =	sld [smem:$0x3FB1]  }
0x2c: {  	s7 =	sld [smem:$0x3FB2]  }
0x2d: {  	s3 =	simm.s32 $0x108;
	s8 =	sld [smem:$0x3FB3]  }
0x2e: {  	s3 =	simm.s32 @!p0 $0x1082;
	s9 =	sld [smem:$0x3FB4]  }
0x2f: {  	lr =	sadd.s32 s0, s3;
	s0 =	sld [smem:$0x3FAB]  }
0x30: {  	s3 =	sld [smem:$0x3FAE]  }
0x31: {  	[smem:$0x3FB7] =	sst s10  }
0x32: {  	s10 =	sld [smem:$0x3FB5];
	_ =	sdelay $0x3  }
0x33: {  	p0 =	seq.s32 s10, $0x1;
	s10 =	sld [smem:$0x3FB7];
	_ =	sdelay $0x3  }
0x34: {  	[smem:$0x3FB7] =	sst s10  }
0x35: {  	s10 =	sld [smem:$0x3FB6];
	_ =	sdelay $0x3  }
0x36: {  	p1 =	seq.s32 s10, $0x1;
	s10 =	sld [smem:$0x3FB7];
	_ =	sdelay $0x3  }
0x37: {  	[smem:$0x3FB7] =	sst s10  }
0x38: {  	s10 =	sld [smem:$0x3FB8]  }
0x39: {  	_ = 	snop;
	(pc) =	sbr.ind lr, $3  }
0x3a: {  	_ = 	snop  }
0x3b: {  	_ = 	snop  }
0x3c: {  	p2 =	seq.s32 s10, $0x1;
	s10 =	sld [smem:$0x3FB7]  }
0x3d: {  	_ =	shalt  }
0x3e: {  	_ =	shalt  }
0x3f: {  	_ =	shalt  }
0x40: {  	_ =	shalt  }
0x41: {  	_ =	shalt  }
0x42: {  	_ =	shalt  }
0x43: {  	_ =	shalt  }
0x44: {  	_ =	shalt  }
0x45: {  	_ =	shalt  }
0x46: {  	_ =	shalt  }
0x47: {  	_ =	shalt  }
0x48: {  	_ =	shalt  }
0x49: {  	_ =	shalt  }
0x4a: {  	_ =	shalt  }
0x4b: {  	_ =	shalt  }
0x4c: {  	_ =	shalt  }
0x4d: {  	_ =	shalt  }
0x4e: {  	_ =	shalt  }
0x4f: {  	_ =	shalt  }
0x50: {  	_ =	shalt  }
0x51: {  	_ =	shalt  }
0x52: {  	_ =	shalt  }
0x53: {  	_ =	shalt  }
0x54: {  	_ =	shalt  }
0x55: {  	_ =	shalt  }
0x56: {  	_ =	shalt  }
0x57: {  	_ =	shalt  }
0x58: {  	_ =	shalt  }
0x59: {  	_ =	shalt  }
0x5a: {  	_ =	shalt  }
0x5b: {  	_ =	shalt  }
0x5c: {  	_ =	shalt  }
0x5d: {  	_ =	shalt  }
0x5e: {  	_ =	shalt  }
0x5f: {  	_ =	shalt  }
0x60: {  	_ =	shalt  }
0x61: {  	_ =	shalt  }
0x62: {  	_ =	shalt  }
0x63: {  	_ =	shalt  }
0x64: {  	_ =	shalt  }
0x65: {  	_ =	shalt  }
0x66: {  	_ =	shalt  }
0x67: {  	_ =	shalt  }
0x68: {  	_ =	shalt  }
0x69: {  	_ =	shalt  }
0x6a: {  	_ =	shalt  }
0x6b: {  	_ =	shalt  }
0x6c: {  	_ =	shalt  }
0x6d: {  	_ =	shalt  }
0x6e: {  	_ =	shalt  }
0x6f: {  	_ =	shalt  }
0x70: {  	_ =	shalt  }
0x71: {  	_ =	shalt  }
0x72: {  	_ =	shalt  }
0x73: {  	_ =	shalt  }
0x74: {  	_ =	shalt  }
0x75: {  	_ =	shalt  }
0x76: {  	_ =	shalt  }
0x77: {  	_ =	shalt  }
0x78: {  	_ =	shalt  }
0x79: {  	_ =	shalt  }
0x7a: {  	_ =	shalt  }
0x7b: {  	_ =	shalt  }
0x7c: {  	_ =	shalt  }
0x7d: {  	_ =	shalt  }
0x7e: {  	_ =	shalt  }
0x7f: {  	_ =	shalt  }
0x80: {  	_ =	shalt  }
0x81: {  	_ =	shalt  }
0x82: {  	_ =	shalt  }
0x83: {  	_ =	shalt  }
0x84: {  	_ =	shalt  }
0x85: {  	_ =	shalt  }
0x86: {  	_ =	shalt  }
0x87: {  	_ =	shalt  }
.Lfunc_end0:
.L_simem_size_0:
called_computation_lowered:
.L_overlay_start_0:
0x88: {  	s2 =	sld [smem:$0x3FD9]  }
0x89: {  	s3 =	sld [smem:$0x3FFE];
	_ =	sdelay $0x1  }
0x8a: {  	s1 =	srdreg.scid  }
0x8b: {  	s0 =	sand.u32 $0x1, s1  }
0x8c: {  	s17 =	sshll.u32 s0, $0xA;
	s2 =	sadd.s32 s3, s2  }
0x8d: {  	s2 =	sadd.s32 s2, s17  }
0x8e: {  	[smem:$0x3FC3] =	sst s2  }
0x8f: {  	_ = 	snop  }
0x90: {  	s2 =	sld [smem:$0x3FC9]  }
0x91: {  	s18 =	sld [smem:$0x3FC8]  }
0x92: {  	s4 =	sld [smem:$0x3FC7];
	(tm) =	ssettm $0x1  }
0x93: {  	s5 =	sld [smem:$0x3FFB];
	_ =	sdelay $0x3  }
0x94: {  	_ =	strace s5  }
0x95: {  	s5 =	sld [smem:$0x3FFC];
	_ =	sdelay $0x3  }
0x96: {  	_ =	strace s5  }
0x97: {  	s5 =	sld [smem:$0x3FFD];
	_ =	sdelay $0x3  }
0x98: {  	_ =	strace s5  }
0x99: {  	_ =	strace $0x8FFFFFFF  }
0x9a: {  	s19 =	sld [smem:$0x3FDB];
	_ =	sdelay $0x1  }
0x9b: {  	s6 =	simm.s32 $_scs_section_size  }
0x9c: {  	s7 =	simm.s32 $_size__tile_overlayer_lowered;
	s8 =	simm.s32 $_tile_overlayer_lowered  }
0x9d: {  	s22 =	simm.s32 $0x1BFF;
	s21 =	sshll.u32 s8, $0x1;
	s5 =	sadd.s32 s6, s19  }
0x9e: {  	s9 =	simm.s32 $0x0;
	s20 =	sshll.u32 s7, $0x1;
	s7 =	sadd.s32 s21, s5  }
0x9f: {  	[timem:s9], [sflag:s22] =	dma.local [hbm:s7], s20  }
0xa0: {  	_ =	swait.ge [sflag:s22], s20  }
0xa1: {  	s6 =	ssub.s32 $0x0, s20;
	[sflag:s22] =	ssyncset.done $0x0  }
0xa2: {  	[sflag:s22] =	ssyncadd.s32 s6;
	_ =	sdelay $0x1  }
0xa3: {  	s23 =	simm.s32 $0x1B8B  }
0xa4: {  	_ =	swait.ge [sflag:s23], $0x1  }
0xa5: {  	[sflag:s23] =	ssyncset.done $0x0  }
0xa6: {  	s25 =	simm.s32 $0x1B8E;
	s24 =	sld [smem:$0x3FFE];
	[sflag:s23] =	ssyncadd.s32 $0xFFFFFFFF  }
0xa7: {  	s26 =	simm.s32 $execute0_lowered;
	[smem:$0x3FD2] =	sst s25  }
0xa8: {  	s7 =	sshll.u32 s26, $0x1;
	_ =	strace $0x80000046;
	[dreg:$0x1] =	wrdreg $0xFFFFFFFF  }
0xa9: {  	s28 =	simm.s32 $_size_execute0_lowered;
	s5 =	sadd.s32 s5, s7;
	[dreg:$0x0] =	wrdreg $0x0  }
0xaa: {  	s7 =	sshll.u32 s28, $0x1;
	[dreg:$0x2] =	wrdreg s5  }
0xab: {  	[dreg:$0x3] =	wrdreg s7  }
0xac: {  	[dreg:$0x4] =	wrdreg $0xC0  }
0xad: {  	_ =	task [dreg:s9], $0x5FFFF  }
0xae: {  	[dreg:$0x1] =	wrdreg $0xFFFFFFFF  }
0xaf: {  	[dreg:$0x0] =	wrdreg $0x60  }
0xb0: {  	[dreg:$0x2] =	wrdreg s2  }
0xb1: {  	[dreg:$0x3] =	wrdreg s18  }
0xb2: {  	[dreg:$0x4] =	wrdreg s4  }
0xb3: {  	[dreg:$0x5] =	wrdreg s24  }
0xb4: {  	[dreg:$0x6] =	wrdreg $0x9  }
0xb5: {  	_ =	task.clear_ibuf [dreg:s9], $0x7FFFF;
	_ =	strace $0x90000046  }
0xb6: {  	s29 =	simm.s32 $0x9;
	_ =	strace $0x80000048  }
0xb7: {  	_ =	swait.ge [sflag:s29], $0x1  }
0xb8: {  	[sflag:s29] =	ssyncadd.s32 $0xFFFFFFFF  }
0xb9: {  	_ =	strace $0x90000048  }
0xba: {  	_ =	sfence  }
0xbb: {  	s30 =	sld [smem:$0x0];
	_ =	sdelay $0x2  }
0xbc: {  	s31 =	sshll.u32 s1, $0xD;
	s1 =	sshrl.u32 s1, $0x2  }
0xbd: {  	s3 =	sand.u32 $0x4000, s31;
	s1 =	sadd.s32 s1, s30  }
0xbe: {  	s0 =	sor.u32 s3, s0;
	s1 =	sshll.u32 s1, $0x11  }
0xbf: {  	s0 =	sor.u32 s1, s0  }
0xc0: {  	s0 =	sadd.s32 $0x8F2B, s0  }
0xc1: {  	[sflag:s0] =	ssyncadd.remote.s32 $0x1  }
0xc2: {  	_ =	sfence.sel $0xFFFF  }
0xc3: {  	[dreg:$0x0] =	wrdreg $0xFFFFFFFF;
	(pc) =	sbr.abs _section_cstart, $3  }
0xc4: {  	[dreg:$0x1] =	wrdreg $0xFFFFFFFF  }
0xc5: {  	_ =	task.clear_ibuf [dreg:s9], $0x2FFFF;
	_ =	strace $0x9FFFFFFF  }
0xc6: {  	(tm) =	ssettm $0x7FFFFFFF  }
0xc7: {  	_ =	shalt  }
tec
execute0_lowered:
.L_overlay_start_1:
0x0: {  	(tag) =	ssettag $0x1  }
0x1: {  	s3 =	rddreg [dreg:$0x2]  }
0x2: {  	s0 =	rddreg [dreg:$0x3]  }
0x3: {  	s4 =	simm.s32 $0x0;
	s1 =	srdreg.scid;
	s6 =	stileid.u32  }
0x4: {  	s14 =	simm.s32 $0x2;
	s15 =	simm.s32 $0x80;
	s16 =	simm.s32 $0x100  }
0x5: {  	s17 =	simm.s32 $0x180;
	s18 =	simm.s32 $0x200;
	s19 =	simm.s32 $0x280  }
0x6: {  	s20 =	simm.s32 $0x300;
	s21 =	simm.s32 $0x40;
	s28 =	simm.s32 $0xA500  }
0x7: {  	s29 =	simm.s32 $0xC500;
	s30 =	simm.s32 $0x1;
	s31 =	simm.s32 $0xE500  }
0x8: {  	s23 =	simm.s32 $0x0;
	[smem:$0x7FF] =	sst s4;
	s5 =	sadd.s32 $0x1E85400, s0  }
0x9: {  	s7 =	sadd.s32 $0xC00, s0;
	s8 =	sadd.s32 $0xF43000, s0;
	s1 =	sand.u32 $0x1, s1  }
0xa: {  	s9 =	sadd.s32 $0xF83000, s0;
	s6 =	sshll.u32 s6, $0xA;
	s26 =	ssub.s32 $0x2, s1  }
0xb: {  	s11 =	sadd.s32 $0x10, s3;
	s12 =	sadd.s32 $0x20, s3;
	s2 =	sshrl.u32 s26, $0x1  }
0xc: {  	_ =	strace $0x80000047;
	s1 =	sshll.u32 s1, $0x9;
	s0 =	ssub.s32 s26, s2  }
0xd: {  	s10 =	sor.u32 s1, s6;
	s26 =	simm.s32 $0x8500;
	s0 =	smax.u32 s0, $0x1  }
0xe: {  	s2 =	simm.s32 $0x0;
	[dreg:$0x5] =	wrdreg s0;
	s0 =	simm.s32 $0x10500  }
.LBB2_1:
0xf: {  	[dreg:$0x6] =	wrdreg s2;
	s13 =	simm.s32 $0x0  }
.LBB2_2:
0x10: {  	s1 =	sshll.u32 s13, $0x6  }
0x11: {  	s6 =	sadd.s32 s10, s1  }
0x12: {  	s22 =	rddreg [dreg:$0x0];
	s2 =	sshrl.u32 s6, $0x3  }
0x13: {  	s22 =	sadd.s32 s22, s2  }
0x14: {  	[tilespmem:s23], [sflag:$0x2] =	stream.linear.gather [hbm4b:s22+s23], $0x40, $0x38;
	[tilespmem:$0x12500] =	vst v63  }
0x15: {  	_ =	swait.ge [sflag:s14], $0x40  }
0x16: {  	[sflag:s14] =	ssyncset.done $0x0  }
0x17: {  	[sflag:s14] =	ssyncadd.s32 $0xFFFFFFC0  }
0x18: {  	s24 =	rddreg [dreg:$0x1]  }
0x19: {  	s25 =	sshll.u32 s6, $0x3;
	s2 =	sadd.s32 s24, s2  }
0x1a: {  	[tilespmem:s15], [sflag:$0x2] =	stream.linear.gather [hbm4b:s2+s23], $0x40, $0x38;
	[tilespmem:$0x12500] =	vst v63  }
0x1b: {  	s22 =	sand.u32 $0x40, s1;
	s2 =	sand.u32 $0x1FC00, s25  }
0x1c: {  	_ =	swait.ge [sflag:s14], $0x40;
	s24 =	sor.u32 s22, s2  }
0x1d: {  	[sflag:s14] =	ssyncset.done $0x0;
	s24 =	sshrl.u32 s24, $0x3  }
0x1e: {  	[sflag:s14] =	ssyncadd.s32 $0xFFFFFFC0;
	s25 =	sadd.s32 s3, s24  }
0x1f: {  	[tilespmem:s16], [sflag:$0x2] =	stream.linear.gather [hbm4b:s25+s23], $0x40, $0x38;
	[tilespmem:$0x12500] =	vst v63  }
0x20: {  	_ =	swait.ge [sflag:s14], $0x40  }
0x21: {  	[sflag:s14] =	ssyncset.done $0x0  }
0x22: {  	s25 =	sadd.s32 s24, s11;
	[sflag:s14] =	ssyncadd.s32 $0xFFFFFFC0  }
0x23: {  	[tilespmem:s17], [sflag:$0x2] =	stream.linear.gather [hbm4b:s25+s23], $0x40, $0x38;
	[tilespmem:$0x12500] =	vst v63  }
0x24: {  	_ =	swait.ge [sflag:s14], $0x40  }
0x25: {  	[sflag:s14] =	ssyncset.done $0x0  }
0x26: {  	s1 =	sor.u32 s1, s2;
	s24 =	sadd.s32 s24, s12;
	[sflag:s14] =	ssyncadd.s32 $0xFFFFFFC0  }
0x27: {  	[tilespmem:s18], [sflag:$0x2] =	stream.linear.gather [hbm4b:s24+s23], $0x40, $0x38;
	[tilespmem:$0x12500] =	vst v63  }
0x28: {  	s1 =	sshrl.u32 s1, $0x3;
	_ =	swait.ge [sflag:s14], $0x40  }
0x29: {  	s1 =	sor.u32 $0x30, s1;
	[sflag:s14] =	ssyncset.done $0x0  }
0x2a: {  	s1 =	sadd.s32 s3, s1;
	[sflag:s14] =	ssyncadd.s32 $0xFFFFFFC0  }
0x2b: {  	[tilespmem:s19], [sflag:$0x2] =	stream.linear.gather [hbm4b:s1+s23], $0x40, $0x38;
	[tilespmem:$0x12500] =	vst v63  }
0x2c: {  	s24 =	sshrl.u32 s22, $0x3;
	_ =	swait.ge [sflag:s14], $0x40  }
0x2d: {  	s25 =	sor.u32 $0x40, s6;
	s1 =	sadd.s32 s3, s24;
	[sflag:s14] =	ssyncset.done $0x0  }
0x2e: {  	s1 =	sadd.s32 s25, s1;
	[sflag:s14] =	ssyncadd.s32 $0xFFFFFFC0  }
0x2f: {  	[tilespmem:s20], [sflag:$0x2] =	stream.linear.gather [hbm4b:s1+s23], $0x40, $0x38;
	[tilespmem:$0x12500] =	vst v63  }
0x30: {  	_ =	swait.ge [sflag:s14], $0x40  }
0x31: {  	[sflag:s14] =	ssyncset.done $0x0  }
0x32: {  	s2 =	simm.s32 $0x500;
	[sflag:s14] =	ssyncadd.s32 $0xFFFFFFC0  }
0x33: {  	[tilespmem:s2], [sflag:$0x1] =	stream.indirect.gather [hbm4b:s5+s21], $0x80, s23, s21, $0xb8;
	[tilespmem:$0x12500] =	vst v63  }
0x34: {  	s22 =	simm.s32 $0x2500  }
0x35: {  	[tilespmem:s22], [sflag:$0x1] =	stream.indirect.gather [hbm4b:s7+s21], $0x80, s15, s21, $0xb8;
	[tilespmem:$0x12500] =	vst v63  }
0x36: {  	s24 =	simm.s32 $0x4500  }
0x37: {  	[tilespmem:s24], [sflag:$0x1] =	stream.indirect.gather [hbm4b:s7+s21], $0x80, s16, s21, $0xb8;
	[tilespmem:$0x12500] =	vst v63  }
0x38: {  	s25 =	simm.s32 $0x6500  }
0x39: {  	[tilespmem:s25], [sflag:$0x1] =	stream.indirect.gather [hbm4b:s7+s21], $0x80, s17, s21, $0xb8;
	[tilespmem:$0x12500] =	vst v63  }
0x3a: {  	_ = 	snop  }
0x3b: {  	[tilespmem:s26], [sflag:$0x1] =	stream.indirect.gather [hbm4b:s7+s21], $0x80, s18, s21, $0xb8;
	[tilespmem:$0x12500] =	vst v63  }
0x3c: {  	_ = 	snop  }
0x3d: {  	[tilespmem:s28], [sflag:$0x1] =	stream.indirect.gather [hbm4b:s7+s21], $0x80, s19, s21, $0xb8;
	[tilespmem:$0x12500] =	vst v63  }
0x3e: {  	_ = 	snop  }
0x3f: {  	[tilespmem:s29], [sflag:$0x1] =	stream.indirect.gather [hbm4b:s7+s21], $0x80, s20, s21, $0xb8;
	[tilespmem:$0x12500] =	vst v63  }
0x40: {  	_ =	swait.ge [sflag:s30], $0x2000  }
0x41: {  	[sflag:s30] =	ssyncset.done $0x0  }
0x42: {  	[sflag:s30] =	ssyncadd.s32 $0xFFFFE000  }
0x43: {  	_ =	swait.ge [sflag:s30], $0x2000  }
0x44: {  	[sflag:s30] =	ssyncset.done $0x0  }
0x45: {  	[sflag:s30] =	ssyncadd.s32 $0xFFFFE000  }
0x46: {  	_ =	swait.ge [sflag:s30], $0x2000  }
0x47: {  	[sflag:s30] =	ssyncset.done $0x0  }
0x48: {  	[sflag:s30] =	ssyncadd.s32 $0xFFFFE000  }
0x49: {  	_ =	swait.ge [sflag:s30], $0x2000  }
0x4a: {  	[sflag:s30] =	ssyncset.done $0x0  }
0x4b: {  	[sflag:s30] =	ssyncadd.s32 $0xFFFFE000  }
0x4c: {  	_ =	swait.ge [sflag:s30], $0x2000  }
0x4d: {  	[sflag:s30] =	ssyncset.done $0x0  }
0x4e: {  	[sflag:s30] =	ssyncadd.s32 $0xFFFFE000  }
0x4f: {  	_ =	swait.ge [sflag:s30], $0x2000  }
0x50: {  	[sflag:s30] =	ssyncset.done $0x0  }
0x51: {  	[sflag:s30] =	ssyncadd.s32 $0xFFFFE000  }
0x52: {  	_ =	swait.ge [sflag:s30], $0x2000  }
0x53: {  	[sflag:s30] =	ssyncset.done $0x0  }
0x54: {  	s1 =	simm.s32 $0x0;
	[sflag:s30] =	ssyncadd.s32 $0xFFFFE000  }
0x55: {  	v4 =	vld [tilespmem:s1+$0x510]  }
0x56: {  	v2 =	vld [tilespmem:s1+$0x500]  }
0x57: {  	v0 =	vld [tilespmem:s1+$0xC510]  }
0x58: {  	v1 =	vld [tilespmem:s1+$0xC500]  }
0x59: {  	v3 =	vld [tilespmem:s1+$0x8520]  }
0x5a: {  	v5 =	vld [tilespmem:s1+$0x4530]  }
0x5b: {  	v6 =	vld [tilespmem:s1+$0xA500]  }
0x5c: {  	v7 =	vld [tilespmem:s1+$0x4520]  }
0x5d: {  	v8 =	vld [tilespmem:s1+$0x8500]  }
0x5e: {  	v9 =	vld [tilespmem:s1+$0x4500]  }
0x5f: {  	v10 =	vld [tilespmem:s1+$0x6500]  }
0x60: {  	v11 =	vld [tilespmem:s1+$0x4510]  }
0x61: {  	v12 =	vld [tilespmem:s1+$0x6510]  }
0x62: {  	v13 =	vld [tilespmem:s1+$0x6520]  }
0x63: {  	v14 =	vld [tilespmem:s1+$0x8510]  }
0x64: {  	v15 =	vld [tilespmem:s1+$0x6530];
	v9 =	vadd.f32 v10, v9  }
0x65: {  	v10 =	vld [tilespmem:s1+$0xA510]  }
0x66: {  	v16 =	vld [tilespmem:s1+$0x8530];
	v8 =	vadd.f32 v8, v9;
	v9 =	vadd.f32 v12, v11  }
0x67: {  	v7 =	vadd.f32 v13, v7;
	v11 =	vld [tilespmem:s1+$0xA520]  }
0x68: {  	v61 =	vld [tilespmem:s1+$0xA530];
	v6 =	vadd.f32 v6, v8;
	v8 =	vadd.f32 v14, v9  }
0x69: {  	v5 =	vadd.f32 v15, v5;
	v3 =	vadd.f32 v3, v7;
	v9 =	vld [tilespmem:s1+$0xC520]  }
0x6a: {  	v7 =	vld [tilespmem:s1+$0x520];
	v1 =	vadd.f32 v1, v6;
	v6 =	vadd.f32 v10, v8  }
0x6b: {  	v5 =	vadd.f32 v16, v5;
	v8 =	vld [tilespmem:s1+$0xC530]  }
0x6c: {  	v10 =	vld [tilespmem:s1+$0x2500];
	v3 =	vadd.f32 v11, v3;
	v1 =	vmul.f32 v1, v2;
	v0 =	vadd.f32 v0, v6  }
0x6d: {  	v5 =	vadd.f32 v61, v5;
	v11 =	vld [tilespmem:s1+$0x530]  }
0x6e: {  	v6 =	vld [tilespmem:s1+$0x2510];
	v3 =	vadd.f32 v9, v3;
	v1 =	vadd.f32 $0.0e+00, v1;
	v0 =	vmul.f32 v0, v4  }
0x6f: {  	v62 =	vld [tilespmem:s1+$0x2530]  }
0x70: {  	s2 =	simm.s32 $0x80;
	v9 =	vld [tilespmem:s1+$0x2520];
	v3 =	vmul.f32 v3, v7;
	v5 =	vadd.f32 v8, v5;
	v63 =	vadd.f32 v0, v1  }
0x71: {  	v8 =	vmul.f32 v10, v2;
	v2 =	vld [tilespmem:s2+$0xC510]  }
0x72: {  	v1 =	vld [tilespmem:s2+$0x510];
	v5 =	vmul.f32 v5, v11;
	v10 =	vadd.f32 v3, v63  }
0x73: {  	v0 =	vld [tilespmem:s2+$0x500];
	v8 =	vadd.f32 $0.0e+00, v8;
	v6 =	vmul.f32 v6, v4  }
0x74: {  	v4 =	vld [tilespmem:s2+$0x8520];
	v10 =	vadd.f32 v5, v10  }
0x75: {  	v3 =	vld [tilespmem:s2+$0xC500];
	v7 =	vmul.f32 v9, v7;
	v8 =	vadd.f32 v6, v8  }
0x76: {  	v5 =	vld [tilespmem:s2+$0x4530];
	[tilespmem:s1+$0x10500] =	vst v10  }
0x77: {  	v9 =	vmul.f32 v62, v11;
	v10 =	vadd.f32 v7, v8;
	v6 =	vld [tilespmem:s2+$0xA500]  }
0x78: {  	v7 =	vld [tilespmem:s2+$0x4520]  }
0x79: {  	v8 =	vld [tilespmem:s2+$0x8500];
	v10 =	vadd.f32 v9, v10  }
0x7a: {  	s22 =	simm.s32 $0x400;
	v9 =	vld [tilespmem:s2+$0x4500]  }
.LBB2_3:
0x7b: {  	p0 =	sne.s32 s22, $0x7E00;
	v11 =	vld [tilespmem:s2+$0x6500];
	[tilespmem:s1+$0xE500] =	vst v10;
	s1 =	smov.u32 s2  }
0x7c: {  	v10 =	vld [tilespmem:s1+$0x4510]  }
0x7d: {  	v12 =	vld [tilespmem:s1+$0x6510]  }
0x7e: {  	v13 =	vld [tilespmem:s1+$0x6520]  }
0x7f: {  	v14 =	vld [tilespmem:s1+$0x8510]  }
0x80: {  	v9 =	vadd.f32 v11, v9;
	v11 =	vld [tilespmem:s1+$0x6530]  }
0x81: {  	v15 =	vld [tilespmem:s1+$0xA510]  }
0x82: {  	v8 =	vadd.f32 v8, v9;
	v9 =	vadd.f32 v12, v10;
	v10 =	vld [tilespmem:s1+$0x8530]  }
0x83: {  	v7 =	vadd.f32 v13, v7;
	v12 =	vld [tilespmem:s1+$0xA520]  }
0x84: {  	v6 =	vadd.f32 v6, v8;
	v8 =	vadd.f32 v14, v9;
	v9 =	vld [tilespmem:s1+$0xA530]  }
0x85: {  	v4 =	vadd.f32 v4, v7;
	v7 =	vld [tilespmem:s1+$0xC520];
	v5 =	vadd.f32 v11, v5  }
0x86: {  	v3 =	vadd.f32 v3, v6;
	v6 =	vadd.f32 v15, v8;
	v8 =	vld [tilespmem:s1+$0x520]  }
0x87: {  	v5 =	vadd.f32 v10, v5;
	v10 =	vld [tilespmem:s1+$0xC530]  }
0x88: {  	v11 =	vld [tilespmem:s1+$0x2500];
	v3 =	vmul.f32 v3, v0;
	v2 =	vadd.f32 v2, v6;
	v4 =	vadd.f32 v12, v4  }
0x89: {  	v6 =	vld [tilespmem:s1+$0x530];
	v5 =	vadd.f32 v9, v5  }
0x8a: {  	v3 =	vadd.f32 $0.0e+00, v3;
	v9 =	vld [tilespmem:s1+$0x2510];
	v2 =	vmul.f32 v2, v1;
	v4 =	vadd.f32 v7, v4  }
0x8b: {  	v7 =	vld [tilespmem:s1+$0x2520]  }
0x8c: {  	s2 =	sshra.s32 s22, $0x2;
	v2 =	vadd.f32 v2, v3;
	v3 =	vmul.f32 v4, v8;
	v12 =	vld [tilespmem:s1+$0x2530];
	v4 =	vadd.f32 v10, v5  }
0x8d: {  	v10 =	vld [tilespmem:s2+$0x510];
	v5 =	vmul.f32 v11, v0  }
0x8e: {  	v0 =	vld [tilespmem:s2+$0x500];
	v11 =	vadd.f32 v3, v2;
	v4 =	vmul.f32 v4, v6  }
0x8f: {  	v2 =	vld [tilespmem:s2+$0xC510];
	v5 =	vadd.f32 $0.0e+00, v5;
	v13 =	vmul.f32 v9, v1  }
0x90: {  	v3 =	vld [tilespmem:s2+$0xC500];
	v7 =	vmul.f32 v7, v8;
	v8 =	vadd.f32 v4, v11  }
0x91: {  	v4 =	vld [tilespmem:s2+$0x8520];
	v9 =	vadd.f32 v13, v5;
	v11 =	vmul.f32 v12, v6  }
.Ltmp0:
0x92: {  	v5 =	vld [tilespmem:s2+$0x4530];
	[tilespmem:s1+$0x10500] =	vst v8;
	v1 =	vmov v10;
	(pc) =	sbr.rel @p0 .LBB2_3-.Ltmp0, $4  }
0x93: {  	v6 =	vld [tilespmem:s2+$0xA500];
	v9 =	vadd.f32 v7, v9  }
0x94: {  	v7 =	vld [tilespmem:s2+$0x4520]  }
0x95: {  	v8 =	vld [tilespmem:s2+$0x8500];
	v10 =	vadd.f32 v11, v9  }
0x96: {  	s22 =	sadd.s32 $0x200, s22;
	v9 =	vld [tilespmem:s2+$0x4500]  }
0x97: {  	v11 =	vld [tilespmem:s2+$0x6500];
	[tilespmem:s1+$0xE500] =	vst v10  }
0x98: {  	v10 =	vld [tilespmem:s2+$0x4510]  }
0x99: {  	v12 =	vld [tilespmem:s2+$0x6510]  }
0x9a: {  	v13 =	vld [tilespmem:s2+$0x6520]  }
0x9b: {  	v14 =	vld [tilespmem:s2+$0x8510]  }
0x9c: {  	v15 =	vld [tilespmem:s2+$0x6530]  }
0x9d: {  	v16 =	vld [tilespmem:s2+$0xA510]  }
0x9e: {  	v43 =	vld [tilespmem:s2+$0x8530]  }
0x9f: {  	v17 =	vld [tilespmem:s2+$0xA520]  }
0xa0: {  	v45 =	vld [tilespmem:s2+$0xA530];
	v9 =	vadd.f32 v11, v9  }
0xa1: {  	v46 =	vld [tilespmem:s2+$0xC520]  }
0xa2: {  	v48 =	vld [tilespmem:s2+$0x2500];
	v44 =	vadd.f32 v12, v10;
	v8 =	vadd.f32 v8, v9  }
0xa3: {  	v49 =	vld [tilespmem:s2+$0x520];
	v7 =	vadd.f32 v13, v7  }
0xa4: {  	v51 =	vld [tilespmem:s2+$0x2510];
	v47 =	vadd.f32 v14, v44;
	v6 =	vadd.f32 v6, v8  }
0xa5: {  	v52 =	vld [tilespmem:s2+$0xC530];
	v5 =	vadd.f32 v15, v5;
	v4 =	vadd.f32 v4, v7  }
0xa6: {  	v53 =	vld [tilespmem:s2+$0x2520];
	v50 =	vadd.f32 v16, v47;
	v3 =	vadd.f32 v3, v6  }
0xa7: {  	v54 =	vld [tilespmem:s2+$0x530];
	v55 =	vmul.f32 v48, v0;
	v5 =	vadd.f32 v43, v5  }
0xa8: {  	v56 =	vld [tilespmem:s2+$0x2530];
	v4 =	vadd.f32 v17, v4;
	v2 =	vadd.f32 v2, v50;
	v3 =	vmul.f32 v3, v0  }
0xa9: {  	v57 =	vmul.f32 v51, v1;
	v5 =	vadd.f32 v45, v5;
	v0 =	vadd.f32 $0.0e+00, v55  }
0xaa: {  	v4 =	vadd.f32 v46, v4;
	v2 =	vmul.f32 v2, v1;
	v3 =	vadd.f32 $0.0e+00, v3  }
0xab: {  	v60 =	vmul.f32 v53, v49;
	v0 =	vadd.f32 v57, v0  }
0xac: {  	v59 =	vadd.f32 v52, v5;
	v58 =	vmul.f32 v4, v49;
	v2 =	vadd.f32 v2, v3  }
0xad: {  	v63 =	vmul.f32 v56, v54;
	v0 =	vadd.f32 v60, v0  }
0xae: {  	v62 =	vmul.f32 v59, v54;
	v61 =	vadd.f32 v58, v2  }
0xaf: {  	v0 =	vadd.f32 v63, v0  }
0xb0: {  	v1 =	vadd.f32 v62, v61  }
0xb1: {  	s24 =	sshll.u32 s6, $0x4;
	[tilespmem:s2+$0xE500] =	vst v0  }
0xb2: {  	s25 =	sadd.s32 s8, s24;
	[tilespmem:s2+$0x10500] =	vst v1  }
0xb3: {  	[hbm4b:s25+s4] =	stream.linear.scatter [tilespmem:s31], [sflag:$0x2], $0x2000, $0x38;
	[tilespmem:$0x12500] =	vst v63  }
0xb4: {  	s13 =	sadd.s32 $0x1, s13;
	_ =	swait.ge [sflag:s14], $0x2000  }
0xb5: {  	p0 =	sne.s32 s13, $0x8;
	[sflag:s14] =	ssyncset.done $0x0  }
.Ltmp1:
0xb6: {  	s1 =	sadd.s32 s9, s24;
	[sflag:s14] =	ssyncadd.s32 $0xFFFFE000;
	(pc) =	sbr.rel @p0 .LBB2_2-.Ltmp1, $4  }
0xb7: {  	[hbm4b:s1+s4] =	stream.linear.scatter [tilespmem:s0], [sflag:$0x2], $0x2000, $0x38;
	[tilespmem:$0x12500] =	vst v63  }
0xb8: {  	_ =	swait.ge [sflag:s14], $0x2000  }
0xb9: {  	[sflag:s14] =	ssyncset.done $0x0  }
0xba: {  	[sflag:s14] =	ssyncadd.s32 $0xFFFFE000  }
0xbb: {  	s2 =	rddreg [dreg:$0x6]  }
0xbc: {  	s1 =	rddreg [dreg:$0x5];
	s2 =	sadd.s32 $0x1, s2  }
0xbd: {  	p0 =	sne.s32 s2, s1  }
.Ltmp2:
0xbe: {  	_ = 	snop;
	(pc) =	sbr.rel @p0 .LBB2_1-.Ltmp2, $1  }
0xbf: {  	_ =	sdelay $0x3  }
0xc0: {  	_ =	sfence.sel $0x180000  }
0xc1: {  	[bflag:$0x0] =	sbarrier.arrive $0xFFFF  }
0xc2: {  	_ =	strace $0x90000047  }
0xc3: {  	s0 =	stileid.u32;
	[bflag:$0x2] =	sbarrier.arrive $0xFFFF  }
0xc4: {  	p0 =	sne.s32 s0, $0x0;
	s0 =	rddreg [dreg:$0x4]  }
0xc5: {  	s0 =	sadd.s32 @!p0 $0x100000, s0  }
0xc6: {  	[sflag:s0] =	ssyncadd.tile.s32 @!p0 $0x1;
	_ =	shalt  }
.Lfunc_end2:
_tile_overlayer_lowered:
.L_overlay_start_2:
0xc7: {  	(tag) =	ssettag $0x2  }
0xc8: {  	s0 =	rddreg [dreg:$0x0];
	s2 =	stileid.u32  }
0xc9: {  	s1 =	rddreg [dreg:$0x1];
	p0 =	sne.s32 s2, $0x0  }
0xca: {  	s3 =	rddreg [dreg:$0x2];
	[bflag:$0x3] =	sbarrier.arrive $0xFFFF;
	s2 =	simm.s32 @!p0 $0x1C02  }
0xcb: {  	[timem:s3], [sflag:s2] =	dma.local @!p0 [hbm:s0], s1  }
0xcc: {  	s0 =	simm.s32 @!p0 $0x2  }
0xcd: {  	_ =	swait.ge @!p0 [sflag:s0], s1  }
0xce: {  	s1 =	ssub.s32 @!p0 $0x0, s1;
	[sflag:s0] =	ssyncset.done @!p0 $0x0  }
0xcf: {  	[sflag:s0] =	ssyncadd.s32 @!p0 s1  }
0xd0: {  	[bflag:$0x3] =	sbarrier.arrive $0xFFFF  }
0xd1: {  	_ =	shalt  }

</sc_bundles>
